<compile_context>
chip_gen: v7x
topology: tpu7x:2x2x1
jax: 0.10.2.dev20260603
libtpu: 0.0.44.dev20260713+nightly
codegen_flags: <defaults>
</compile_context>

<pallas_src>
import functools

import jax
import jax.numpy as jnp
from jax.experimental import pallas as pl
from jax.experimental.pallas import tpu as pltpu
from jax.experimental.pallas import tpu_sc as plsc

_NT = 1024
_GW = 128

_TDOT = (((1,), (1,)), ((), ()))


def _toeplitz_stack(filts, d):
    v_ext = jnp.concatenate([jnp.zeros((4, 1), filts.dtype), filts,
                             jnp.zeros((4, d), filts.dtype)], axis=1)
    b = jnp.broadcast_to(v_ext[:, None, :], (4, d, 2 * d + 1))
    return b.reshape(4, -1)[:, : 2 * d * d].reshape(4, d, 2 * d)


def _body_a(xc_ref, b4_ref, cb_ref, e0_ref, e1_ref, emb0_ref, emb1_ref,
            ind_ref, inp_ref, *, kdim, nseq):
    nt = xc_ref.shape[0]
    d = xc_ref.shape[1]
    hp = d // 2
    tdot = functools.partial(jax.lax.dot_general, dimension_numbers=_TDOT,
                             preferred_element_type=jnp.float32)

    xpq = jnp.pad(xc_ref[...], ((0, 0), (hp, hp)))
    f0 = jax.nn.relu(tdot(xpq, b4_ref[0]) + cb_ref[0, 0])
    u0 = tdot(xpq, b4_ref[1])
    u1 = tdot(xpq, b4_ref[2])
    u2 = tdot(xpq, b4_ref[3])
    zrow = jnp.zeros((1, u0.shape[1]), jnp.float32)
    u0s = jnp.concatenate([zrow, u0[:-1]], axis=0)
    u2s = jnp.concatenate([u2[1:], zrow], axis=0)
    f1 = jax.nn.relu(((u0s + u1) + u2s) + cb_ref[0, 1])
    inp_ref[:, :d] = f0
    inp_ref[:, d:] = f1

    def argmin_k(f, e_ref, emb_ref):
        dist = (jnp.sum(f * f, axis=1, keepdims=True)
                - 2.0 * jnp.dot(f, emb_ref[...],
                                preferred_element_type=jnp.float32)) + e_ref[...]
        return jnp.argmin(dist, axis=1).astype(jnp.int32)

    ind_ref[:, 0:1] = argmin_k(f0, e0_ref, emb0_ref)[:, None]
    ind_ref[:, 1:2] = argmin_k(f1, e1_ref, emb1_ref)[:, None]


def _body_b(inp_ref, qz_ref, cb_ref, gw0_ref, gw1_ref, zq_ref):
    d = zq_ref.shape[1]
    f0 = inp_ref[:, :d]
    f1 = inp_ref[:, d:]
    q0 = qz_ref[:, :d]
    q1 = qz_ref[:, d:]
    zq0 = f0 + (q0 - f0)
    zq1 = f1 + (q1 - f1)
    g0 = jnp.sum(zq0 * gw0_ref[...], axis=1, keepdims=True) + cb_ref[0, 2]
    g1 = jnp.sum(zq0 * gw1_ref[...], axis=1, keepdims=True) + cb_ref[0, 3]
    m = jnp.maximum(g0, g1)
    a0 = jnp.exp(g0 - m)
    a1 = jnp.exp(g1 - m)
    tot = a0 + a1
    zq_ref[...] = zq0 * (a0 / tot) + zq1 * (a1 / tot)


def _sc_gather(et0, et1, i0, i1, n, d):
    mesh = plsc.VectorSubcoreMesh(core_axis_name="c", subcore_axis_name="s")

    @pl.kernel(out_type=jax.ShapeDtypeStruct((n, 2 * d), jnp.float32),
               mesh=mesh)
    def gath(et0_hbm, et1_hbm, i0_hbm, i1_hbm, o_hbm):
        def body0(i_vmem, o_vmem):
            pltpu.sync_copy(et0_hbm.at[i_vmem.at[0]], o_vmem)

        pltpu.emit_pipeline(
            body0,
            grid=(n // _GW,),
            in_specs=[pl.BlockSpec((1, _GW), lambda i: (i, 0))],
            out_specs=[pl.BlockSpec((_GW, d), lambda i: (i, 0))],
            core_axis_name=("c", "s"),
            dimension_semantics=(pltpu.PARALLEL,),
        )(i0_hbm, o_hbm)

        def body1(i_vmem, o_vmem):
            pltpu.sync_copy(et1_hbm.at[i_vmem.at[0]], o_vmem)

        pltpu.emit_pipeline(
            body1,
            grid=(n // _GW,),
            in_specs=[pl.BlockSpec((1, _GW), lambda i: (i, 0))],
            out_specs=[pl.BlockSpec((_GW, d), lambda i: (i, 1))],
            core_axis_name=("c", "s"),
            dimension_semantics=(pltpu.PARALLEL,),
        )(i1_hbm, o_hbm)

    return gath(et0, et1, i0.reshape(n // _GW, _GW), i1.reshape(n // _GW, _GW))


def kernel(x, conv_w0, conv_b0, conv_w1, conv_b1, embed0, embed1,
           gate_w0, gate_b0, gate_w1, gate_b1):
    b, s, d = x.shape
    kdim = embed0.shape[1]
    n = b * s
    dp = 2 * d
    ntiles = n // _NT

    filts = jnp.concatenate([conv_w0[0, 0], conv_w1[0, 0]], axis=0)
    b4 = _toeplitz_stack(filts, d)

    xc = x.reshape(n, d)
    e0 = jnp.sum(embed0 * embed0, axis=0, keepdims=True)
    e1 = jnp.sum(embed1 * embed1, axis=0, keepdims=True)
    cb = jnp.stack([conv_b0[0], conv_b1[0], gate_b0[0], gate_b1[0]])[None, :]

    row = lambda i: (i, 0)
    whole = lambda i: (0, 0)
    whole3 = lambda i: (0, 0, 0)

    argmin, inputs = pl.pallas_call(
        functools.partial(_body_a, kdim=kdim, nseq=s),
        grid=(ntiles,),
        in_specs=[
            pl.BlockSpec((_NT, d), row),
            pl.BlockSpec((4, d, dp), whole3),
            pl.BlockSpec((1, 4), whole),
            pl.BlockSpec((1, kdim), whole),
            pl.BlockSpec((1, kdim), whole),
            pl.BlockSpec((d, kdim), whole),
            pl.BlockSpec((d, kdim), whole),
        ],
        out_specs=(
            pl.BlockSpec((_NT, 2), row),
            pl.BlockSpec((_NT, dp), row),
        ),
        out_shape=(
            jax.ShapeDtypeStruct((n, 2), jnp.int32),
            jax.ShapeDtypeStruct((n, dp), jnp.float32),
        ),
        compiler_params=pltpu.CompilerParams(
            dimension_semantics=("arbitrary",)),
    )(xc, b4, cb, e0, e1, embed0, embed1)

    quantizes = _sc_gather(embed0.T, embed1.T,
                           argmin[:, 0], argmin[:, 1], n, d)

    z_q = pl.pallas_call(
        _body_b,
        grid=(ntiles,),
        in_specs=[
            pl.BlockSpec((_NT, dp), row),
            pl.BlockSpec((_NT, dp), row),
            pl.BlockSpec((1, 4), whole),
            pl.BlockSpec((1, d), whole),
            pl.BlockSpec((1, d), whole),
        ],
        out_specs=pl.BlockSpec((_NT, d), row),
        out_shape=jax.ShapeDtypeStruct((n, d), jnp.float32),
        compiler_params=pltpu.CompilerParams(
            dimension_semantics=("arbitrary",)),
    )(inputs, quantizes, cb, gate_w0[None, :], gate_w1[None, :])

    return (z_q, argmin, inputs, quantizes)

# --- scband reference (transcript-rebuilt; emitter-appended) ---
"""Pipeline reference for scband-emaquantize-list-23407571763333 (READ-ONLY COPY).

The authoritative reference and input builder live on the scoring server;
editing this copy changes nothing except your own understanding.
"""

import jax, jax.numpy as jnp
import numpy as np
from jax import lax

B, S, D, K = 8, 1024, 256, 1024


def setup_inputs(seed: int = 0) -> dict:
    key = jax.random.key(seed)
    ks = jax.random.split(key, 12)
    return {
        "x": jax.random.normal(ks[0], (B, S, D), dtype=jnp.float32),
        "conv_w0": jax.random.normal(ks[1], (1, 1, 1, D), dtype=jnp.float32) * 0.05,
        "conv_b0": jnp.zeros((1,), dtype=jnp.float32),
        "conv_w1": jax.random.normal(ks[2], (1, 1, 3, D), dtype=jnp.float32) * 0.05,
        "conv_b1": jnp.zeros((1,), dtype=jnp.float32),
        "embed0": jax.random.normal(ks[3], (D, K), dtype=jnp.float32),
        "embed1": jax.random.normal(ks[4], (D, K), dtype=jnp.float32),
        "gate_w0": jax.random.normal(ks[5], (D,), dtype=jnp.float32) * 0.05,
        "gate_b0": jnp.zeros((1,), dtype=jnp.float32),
        "gate_w1": jax.random.normal(ks[6], (D,), dtype=jnp.float32) * 0.05,
        "gate_b1": jnp.zeros((1,), dtype=jnp.float32),
    }


def _conv_same_relu(x4, w, b):
    # x4: [B,1,S,D], w: [O=1,I=1,KH,KW], stride 1, 'same' padding (matches torch padding='same')
    b_, _, s_, d_ = x4.shape
    kh_, kw_ = w.shape[2], w.shape[3]
    pad_h_lo = (kh_ - 1) // 2
    pad_h_hi = (kh_ - 1) - pad_h_lo
    pad_w_lo = (kw_ - 1) // 2
    pad_w_hi = (kw_ - 1) - pad_w_lo
    x3 = x4[:, 0, :, :]
    xp = jnp.pad(x3, ((0, 0), (pad_h_lo, pad_h_hi), (pad_w_lo, pad_w_hi)))
    jcol = jnp.arange(d_ + kw_ - 1)[:, None]
    wcol = jnp.arange(d_)[None, :]
    idx = jcol - wcol
    valid = (idx >= 0) & (idx < kw_)
    idx_c = jnp.clip(idx, 0, kw_ - 1)
    y3 = jnp.zeros((b_, s_, d_), x3.dtype)
    for kh in range(kh_):
        wk = jnp.where(valid, w[0, 0, kh][idx_c], jnp.zeros((), x3.dtype))
        y3 = y3 + xp[:, kh:kh + s_, :] @ wk
    y3 = y3 + b
    y = y3[:, None, :, :]
    return jax.nn.relu(y)


def _ema_quantize(f, embed):
    # f: [N, D], embed: [D, K]  (eval-mode forward; EMA buffer updates skipped)
    dist = jnp.sum(f * f, axis=1, keepdims=True) - 2.0 * (f @ embed) + jnp.sum(embed * embed, axis=0, keepdims=True)
    embed_ind = jnp.argmax(-dist, axis=1)
    quantize = jnp.take(embed.T, embed_ind, axis=0)
    z_q = f + lax.stop_gradient(quantize - f)
    return z_q, embed_ind, f, quantize


def reference(x, conv_w0, conv_b0, conv_w1, conv_b1, embed0, embed1,
              gate_w0, gate_b0, gate_w1, gate_b1):
    b, s, d = x.shape
    conv_input = x[:, None, :, :]  # [B,1,S,D]
    c0 = _conv_same_relu(conv_input, conv_w0, conv_b0)
    c1 = _conv_same_relu(conv_input, conv_w1, conv_b1)
    f0 = c0.reshape(-1, d)
    f1 = c1.reshape(-1, d)
    zq0, ind0, in0, q0 = _ema_quantize(f0, embed0)
    zq1, ind1, in1, q1 = _ema_quantize(f1, embed1)
    # code_mode == 'sum': gate from first sub-quantized output
    gate_input = zq0
    g0 = gate_input @ gate_w0 + gate_b0  # [N]
    g1 = gate_input @ gate_w1 + gate_b1  # [N]
    gate = jax.nn.softmax(jnp.stack([g0, g1], axis=-1), axis=-1)  # [N,2]
    z_q = zq0 * gate[:, 0:1] + zq1 * gate[:, 1:2]  # [N,D]
    argmin = jnp.stack([ind0, ind1], axis=-1)  # [N,2]
    inputs = jnp.concatenate([in0, in1], axis=-1)  # [N,2D]
    quantizes = jnp.concatenate([q0, q1], axis=-1)  # [N,2D]
    return (z_q, argmin, inputs, quantizes)

if __name__ == "__main__":
    import jax
    _d = setup_inputs()
    print(jax.jit(kernel)(*tuple(_d.values())))

</pallas_src>

<mosaic_0001>
#map = affine_map<(d0, d1) -> (0, 0)>
module attributes {stable_mosaic.version = 14 : i64} {
  func.func @gath(%arg0: i32, %arg1: i32, %arg2: memref<1024x256xf32, #tpu.memory_space<hbm>>, %arg3: memref<1024x256xf32, #tpu.memory_space<hbm>>, %arg4: memref<64x128xi32, #tpu.memory_space<hbm>>, %arg5: memref<64x128xi32, #tpu.memory_space<hbm>>, %arg6: memref<8192x512xf32, #tpu.memory_space<hbm>>) attributes {dimension_semantics = [#tpu.dimension_semantics<core_parallel>, #tpu.dimension_semantics<subcore_parallel>], iteration_bounds = array<i64: 2, 16>, scalar_prefetch = 0 : i64, scratch_operands = 0 : i64, tpu.core_type = #tpu.core_type<sc_vector_subcore>, window_params = [{transform_indices = #map}, {transform_indices = #map}, {transform_indices = #map}, {transform_indices = #map}, {transform_indices = #map}]} {
    %mul3A = arith.constant 1 : i32
    %mul3A_0 = arith.muli %arg1, %mul3A : i32
    %add3A = arith.constant 0 : i32
    %add3A_1 = arith.addi %add3A, %mul3A_0 : i32
    %mul3A_2 = arith.constant 16 : i32
    %mul3A_3 = arith.muli %arg0, %mul3A_2 : i32
    %add3A_4 = arith.addi %add3A_1, %mul3A_3 : i32
    %mul3A_5 = arith.constant 2 : i32
    %mul3A_6 = arith.muli %add3A_4, %mul3A_5 : i32
    "tpu.region"() ({
      %run_scoped3A = memref.alloca() : memref<2x1x128xi32, #tpu.memory_space<vmem>>
      %run_scoped3A_16 = tpu.sem_alloc : memref<2x!tpu.dma_semaphore, #tpu.memory_space<semaphore_mem>>
      %run_scoped3A_17 = memref.alloca() : memref<2x128x256xf32, #tpu.memory_space<vmem>>
      %run_scoped3A_18 = tpu.sem_alloc : memref<2x!tpu.dma_semaphore, #tpu.memory_space<semaphore_mem>>
      %add3A_19 = arith.constant 0 : i32
      %add3A_20 = arith.addi %add3A_19, %mul3A_6 : i32
      %select_n3A = arith.constant true
      %select_n3A_21 = arith.constant 0 : i32
      %select_n3A_22 = arith.constant -1 : i32
      %select_n3A_23 = arith.select %select_n3A, %select_n3A_22, %select_n3A_21 : i32
      %eq3A = arith.constant -1 : i32
      %eq3A_24 = arith.cmpi eq, %select_n3A_23, %eq3A : i32
      %select_n3A_25 = arith.constant 1 : i32
      %select_n3A_26 = arith.select %eq3A_24, %select_n3A_25, %select_n3A_23 : i32
      %add3A_27 = arith.addi %select_n3A_26, %mul3A_6 : i32
      %select_n3A_28 = arith.constant true
      %select_n3A_29 = arith.constant 0 : i32
      %select_n3A_30 = arith.constant 1 : i32
      %select_n3A_31 = arith.select %select_n3A_28, %select_n3A_30, %select_n3A_29 : i32
      %eq3A_32 = arith.constant 2 : i32
      %eq3A_33 = arith.cmpi eq, %select_n3A_31, %eq3A_32 : i32
      %select_n3A_34 = arith.constant 0 : i32
      %select_n3A_35 = arith.select %eq3A_33, %select_n3A_34, %select_n3A_31 : i32
      %add3A_36 = arith.addi %select_n3A_35, %mul3A_6 : i32
      %add3A_37 = arith.constant 1 : i32
      %add3A_38 = arith.addi %select_n3A_35, %add3A_37 : i32
      %select_n3A_39 = arith.constant true
      %select_n3A_40 = arith.select %select_n3A_39, %add3A_38, %select_n3A_35 : i32
      %eq3A_41 = arith.constant 2 : i32
      %eq3A_42 = arith.cmpi eq, %select_n3A_40, %eq3A_41 : i32
      %select_n3A_43 = arith.constant 0 : i32
      %select_n3A_44 = arith.select %eq3A_42, %select_n3A_43, %select_n3A_40 : i32
      %add3A_45 = arith.addi %select_n3A_44, %mul3A_6 : i32
      "tpu.trace_start"() <{level = 10 : i32, message = "ep_initialize_0"}> : () -> ()
      %rem3A = arith.constant 0 : i32
      %rem3A_46 = arith.constant 2 : i32
      %rem3A_47 = arith.remui %rem3A, %rem3A_46 : i32
      %mul3A_48 = arith.constant 1 : i32
      %mul3A_49 = arith.muli %mul3A_48, %add3A_20 : i32
      %dma_start3A = arith.constant 0 : i32
      %dma_start3A_50 = arith.constant 0 : i32
      %dma_start3A_51 = tpu.memref_slice %run_scoped3A[%rem3A_47, %dma_start3A, %dma_start3A_50] : memref<2x1x128xi32, #tpu.memory_space<vmem>> -> memref<1x1x128xi32, #tpu.memory_space<vmem>>
      %dma_start3A_52 = tpu.memref_squeeze %dma_start3A_51 : memref<1x1x128xi32, #tpu.memory_space<vmem>> -> memref<1x128xi32, #tpu.memory_space<vmem>>
      %dma_start3A_53 = arith.constant 0 : i32
      %dma_start3A_54 = tpu.memref_slice %arg4[%mul3A_49, %dma_start3A_53] : memref<64x128xi32, #tpu.memory_space<hbm>> -> memref<1x128xi32, #tpu.memory_space<hbm>>
      %dma_start3A_55 = tpu.memref_slice %run_scoped3A_16[%rem3A_47] : memref<2x!tpu.dma_semaphore, #tpu.memory_space<semaphore_mem>> -> memref<1x!tpu.dma_semaphore, #tpu.memory_space<semaphore_mem>>
      %dma_start3A_56 = tpu.memref_squeeze %dma_start3A_55 : memref<1x!tpu.dma_semaphore, #tpu.memory_space<semaphore_mem>> -> memref<!tpu.dma_semaphore, #tpu.memory_space<semaphore_mem>>
      %dma_start3A_57 = arith.constant 0 : i32
      %dma_start3A_58 = arith.constant 0 : i32
      %dma_start3A_59 = tpu.memref_slice %run_scoped3A[%rem3A_47, %dma_start3A_57, %dma_start3A_58] : memref<2x1x128xi32, #tpu.memory_space<vmem>> -> memref<1x1x128xi32, #tpu.memory_space<vmem>>
      %dma_start3A_60 = tpu.memref_squeeze %dma_start3A_59 : memref<1x1x128xi32, #tpu.memory_space<vmem>> -> memref<1x128xi32, #tpu.memory_space<vmem>>
      %dma_start3A_61 = arith.constant 0 : i32
      %dma_start3A_62 = tpu.memref_slice %arg4[%mul3A_49, %dma_start3A_61] : memref<64x128xi32, #tpu.memory_space<hbm>> -> memref<1x128xi32, #tpu.memory_space<hbm>>
      tpu.enqueue_dma source(%dma_start3A_62 : memref<1x128xi32, #tpu.memory_space<hbm>>) target(%dma_start3A_60 : memref<1x128xi32, #tpu.memory_space<vmem>>) target_semaphore(%dma_start3A_56 : memref<!tpu.dma_semaphore, #tpu.memory_space<semaphore_mem>>)
      %add3A_63 = arith.constant 0 : i32
      %add3A_64 = arith.constant 1 : i32
      %add3A_65 = arith.addi %add3A_63, %add3A_64 : i32
      %select_n3A_66 = arith.constant true
      %select_n3A_67 = arith.constant 0 : i32
      %select_n3A_68 = arith.select %select_n3A_66, %add3A_65, %select_n3A_67 : i32
      "tpu.trace_stop"() : () -> ()
      %scan3A = arith.constant 0 : i32
      %scan3A_69 = arith.constant 0 : i32
      %scan3A_70 = arith.constant 0 : i32
      %scan3A_71 = arith.constant 0 : i32
      %scan3A_72 = arith.constant 0 : i32
      %scan3A_73 = arith.constant 2 : i32
      %scan3A_74 = arith.addi %scan3A_72, %scan3A_73 : i32
      %scan3A_75 = arith.constant 1 : i32
      %scan3A_76:5 = scf.for %scan3A_130 = %scan3A_72 to %scan3A_74 step %scan3A_75 iter_args(%scan3A_131 = %select_n3A_68, %scan3A_132 = %scan3A, %scan3A_133 = %scan3A_69, %scan3A_134 = %scan3A_70, %scan3A_135 = %scan3A_71) -> (i32, i32, i32, i32, i32)  : i32 {
        %eq3A_136 = arith.constant 0 : i32
        %eq3A_137 = arith.cmpi eq, %scan3A_130, %eq3A_136 : i32
        %eq3A_138 = arith.constant 1 : i32
        %eq3A_139 = arith.cmpi eq, %scan3A_130, %eq3A_138 : i32
        %add3A_140 = arith.addi %scan3A_135, %mul3A_6 : i32
        %sub3A_141 = arith.constant 1 : i32
        %sub3A_142 = arith.subi %scan3A_135, %sub3A_141 : i32
        %select_n3A_143 = arith.constant true
        %select_n3A_144 = arith.select %select_n3A_143, %sub3A_142, %scan3A_135 : i32
        %eq3A_145 = arith.constant -1 : i32
        %eq3A_146 = arith.cmpi eq, %select_n3A_144, %eq3A_145 : i32
        %select_n3A_147 = arith.constant 1 : i32
        %select_n3A_148 = arith.select %eq3A_146, %select_n3A_147, %select_n3A_144 : i32
        %add3A_149 = arith.addi %select_n3A_148, %mul3A_6 : i32
        %add3A_150 = arith.constant 1 : i32
        %add3A_151 = arith.addi %scan3A_135, %add3A_150 : i32
        %select_n3A_152 = arith.constant true
        %select_n3A_153 = arith.select %select_n3A_152, %add3A_151, %scan3A_135 : i32
        %eq3A_154 = arith.constant 2 : i32
        %eq3A_155 = arith.cmpi eq, %select_n3A_153, %eq3A_154 : i32
        %select_n3A_156 = arith.constant 0 : i32
        %select_n3A_157 = arith.select %eq3A_155, %select_n3A_156, %select_n3A_153 : i32
        %add3A_158 = arith.addi %select_n3A_157, %mul3A_6 : i32
        %add3A_159 = arith.constant 1 : i32
        %add3A_160 = arith.addi %select_n3A_157, %add3A_159 : i32
        %select_n3A_161 = arith.constant true
        %select_n3A_162 = arith.select %select_n3A_161, %add3A_160, %select_n3A_157 : i32
        %eq3A_163 = arith.constant 2 : i32
        %eq3A_164 = arith.cmpi eq, %select_n3A_162, %eq3A_163 : i32
        %select_n3A_165 = arith.constant 0 : i32
        %select_n3A_166 = arith.select %eq3A_164, %select_n3A_165, %select_n3A_162 : i32
        %add3A_167 = arith.addi %select_n3A_166, %mul3A_6 : i32
        %ne3A = arith.cmpi ne, %add3A_140, %add3A_158 : i32
        %or3A = arith.constant false
        %or3A_168 = arith.ori %or3A, %ne3A : i1
        %or3A_169 = arith.constant false
        %or3A_170 = arith.ori %or3A_168, %or3A_169 : i1
        %ge3A = arith.constant 1 : i32
        %ge3A_171 = arith.cmpi sge, %scan3A_130, %ge3A : i32
        %not3A = arith.constant true
        %not3A_172 = arith.xori %ge3A_171, %not3A : i1
        %and3A = arith.andi %or3A_170, %not3A_172 : i1
        %convert_element_type3A = arith.extui %and3A : i1 to i32
        %cond3A = arith.constant 0 : i32
        %cond3A_173 = arith.cmpi ne, %convert_element_type3A, %cond3A : i32
        scf.if %cond3A_173 {
          "tpu.trace_start"() <{level = 10 : i32, message = "ep_copy_in"}> : () -> ()
          %rem3A_283 = arith.constant 2 : i32
          %rem3A_284 = arith.remui %scan3A_131, %rem3A_283 : i32
          %mul3A_285 = arith.constant 1 : i32
          %mul3A_286 = arith.muli %mul3A_285, %add3A_158 : i32
          %dma_start3A_287 = arith.constant 0 : i32
          %dma_start3A_288 = arith.constant 0 : i32
          %dma_start3A_289 = tpu.memref_slice %run_scoped3A[%rem3A_284, %dma_start3A_287, %dma_start3A_288] : memref<2x1x128xi32, #tpu.memory_space<vmem>> -> memref<1x1x128xi32, #tpu.memory_space<vmem>>
          %dma_start3A_290 = tpu.memref_squeeze %dma_start3A_289 : memref<1x1x128xi32, #tpu.memory_space<vmem>> -> memref<1x128xi32, #tpu.memory_space<vmem>>
          %dma_start3A_291 = arith.constant 0 : i32
          %dma_start3A_292 = tpu.memref_slice %arg4[%mul3A_286, %dma_start3A_291] : memref<64x128xi32, #tpu.memory_space<hbm>> -> memref<1x128xi32, #tpu.memory_space<hbm>>
          %dma_start3A_293 = tpu.memref_slice %run_scoped3A_16[%rem3A_284] : memref<2x!tpu.dma_semaphore, #tpu.memory_space<semaphore_mem>> -> memref<1x!tpu.dma_semaphore, #tpu.memory_space<semaphore_mem>>
          %dma_start3A_294 = tpu.memref_squeeze %dma_start3A_293 : memref<1x!tpu.dma_semaphore, #tpu.memory_space<semaphore_mem>> -> memref<!tpu.dma_semaphore, #tpu.memory_space<semaphore_mem>>
          %dma_start3A_295 = arith.constant 0 : i32
          %dma_start3A_296 = arith.constant 0 : i32
          %dma_start3A_297 = tpu.memref_slice %run_scoped3A[%rem3A_284, %dma_start3A_295, %dma_start3A_296] : memref<2x1x128xi32, #tpu.memory_space<vmem>> -> memref<1x1x128xi32, #tpu.memory_space<vmem>>
          %dma_start3A_298 = tpu.memref_squeeze %dma_start3A_297 : memref<1x1x128xi32, #tpu.memory_space<vmem>> -> memref<1x128xi32, #tpu.memory_space<vmem>>
          %dma_start3A_299 = arith.constant 0 : i32
          %dma_start3A_300 = tpu.memref_slice %arg4[%mul3A_286, %dma_start3A_299] : memref<64x128xi32, #tpu.memory_space<hbm>> -> memref<1x128xi32, #tpu.memory_space<hbm>>
          tpu.enqueue_dma source(%dma_start3A_300 : memref<1x128xi32, #tpu.memory_space<hbm>>) target(%dma_start3A_298 : memref<1x128xi32, #tpu.memory_space<vmem>>) target_semaphore(%dma_start3A_294 : memref<!tpu.dma_semaphore, #tpu.memory_space<semaphore_mem>>)
          "tpu.trace_stop"() : () -> ()
        } else {
        }
        %and3A_174 = arith.constant true
        %and3A_175 = arith.andi %and3A, %and3A_174 : i1
        %add3A_176 = arith.constant 1 : i32
        %add3A_177 = arith.addi %scan3A_131, %add3A_176 : i32
        %select_n3A_178 = arith.select %and3A_175, %add3A_177, %scan3A_131 : i32
        %ne3A_179 = arith.cmpi ne, %add3A_140, %add3A_158 : i32
        %or3A_180 = arith.constant false
        %or3A_181 = arith.ori %or3A_180, %ne3A_179 : i1
        %or3A_182 = arith.constant false
        %or3A_183 = arith.ori %or3A_181, %or3A_182 : i1
        %ge3A_184 = arith.constant 1 : i32
        %ge3A_185 = arith.cmpi sge, %scan3A_130, %ge3A_184 : i32
        %not3A_186 = arith.constant true
        %not3A_187 = arith.xori %ge3A_185, %not3A_186 : i1
        %and3A_188 = arith.andi %or3A_183, %not3A_187 : i1
        %ne3A_189 = arith.cmpi ne, %add3A_140, %add3A_149 : i32
        %or3A_190 = arith.constant false
        %or3A_191 = arith.ori %or3A_190, %ne3A_189 : i1
        %or3A_192 = arith.constant false
        %or3A_193 = arith.ori %or3A_191, %or3A_192 : i1
        %or3A_194 = arith.ori %or3A_193, %eq3A_137 : i1
        %convert_element_type3A_195 = arith.extui %or3A_194 : i1 to i32
        %cond3A_196 = arith.constant 0 : i32
        %cond3A_197 = arith.cmpi ne, %convert_element_type3A_195, %cond3A_196 : i32
        scf.if %cond3A_197 {
          "tpu.trace_start"() <{level = 10 : i32, message = "ep_wait_in"}> : () -> ()
          %mul3A_283 = arith.constant 1 : i32
          %mul3A_284 = arith.muli %mul3A_283, %add3A_140 : i32
          %rem3A_285 = arith.constant 2 : i32
          %rem3A_286 = arith.remui %scan3A_132, %rem3A_285 : i32
          %dma_wait3A_287 = arith.constant 0 : i32
          %dma_wait3A_288 = arith.constant 0 : i32
          %dma_wait3A_289 = tpu.memref_slice %run_scoped3A[%rem3A_286, %dma_wait3A_287, %dma_wait3A_288] : memref<2x1x128xi32, #tpu.memory_space<vmem>> -> memref<1x1x128xi32, #tpu.memory_space<vmem>>
          %dma_wait3A_290 = tpu.memref_squeeze %dma_wait3A_289 : memref<1x1x128xi32, #tpu.memory_space<vmem>> -> memref<1x128xi32, #tpu.memory_space<vmem>>
          %dma_wait3A_291 = arith.constant 0 : i32
          %dma_wait3A_292 = tpu.memref_slice %arg4[%mul3A_284, %dma_wait3A_291] : memref<64x128xi32, #tpu.memory_space<hbm>> -> memref<1x128xi32, #tpu.memory_space<hbm>>
          %dma_wait3A_293 = tpu.memref_slice %run_scoped3A_16[%rem3A_286] : memref<2x!tpu.dma_semaphore, #tpu.memory_space<semaphore_mem>> -> memref<1x!tpu.dma_semaphore, #tpu.memory_space<semaphore_mem>>
          %dma_wait3A_294 = tpu.memref_squeeze %dma_wait3A_293 : memref<1x!tpu.dma_semaphore, #tpu.memory_space<semaphore_mem>> -> memref<!tpu.dma_semaphore, #tpu.memory_space<semaphore_mem>>
          %dma_wait3A_295 = arith.constant 0 : i32
          %dma_wait3A_296 = arith.constant 0 : i32
          %dma_wait3A_297 = tpu.memref_slice %run_scoped3A[%rem3A_286, %dma_wait3A_295, %dma_wait3A_296] : memref<2x1x128xi32, #tpu.memory_space<vmem>> -> memref<1x1x128xi32, #tpu.memory_space<vmem>>
          %dma_wait3A_298 = tpu.memref_squeeze %dma_wait3A_297 : memref<1x1x128xi32, #tpu.memory_space<vmem>> -> memref<1x128xi32, #tpu.memory_space<vmem>>
          %dma_wait3A_299 = arith.constant 0 : i32
          %dma_wait3A_300 = tpu.memref_slice %arg4[%mul3A_284, %dma_wait3A_299] : memref<64x128xi32, #tpu.memory_space<hbm>> -> memref<1x128xi32, #tpu.memory_space<hbm>>
          tpu.wait_dma2 semaphore(%dma_wait3A_294 : memref<!tpu.dma_semaphore, #tpu.memory_space<semaphore_mem>>) src(%dma_wait3A_300 : memref<1x128xi32, #tpu.memory_space<hbm>>) dst(%dma_wait3A_298 : memref<1x128xi32, #tpu.memory_space<vmem>>)
          "tpu.trace_stop"() : () -> ()
        } else {
        }
        %ne3A_198 = arith.cmpi ne, %add3A_140, %add3A_149 : i32
        %or3A_199 = arith.constant false
        %or3A_200 = arith.ori %or3A_199, %ne3A_198 : i1
        %or3A_201 = arith.constant false
        %or3A_202 = arith.ori %or3A_200, %or3A_201 : i1
        %or3A_203 = arith.ori %or3A_202, %eq3A_137 : i1
        %convert_element_type3A_204 = arith.extui %or3A_203 : i1 to i32
        %cond3A_205 = arith.constant 0 : i32
        %cond3A_206 = arith.cmpi ne, %convert_element_type3A_204, %cond3A_205 : i32
        scf.if %cond3A_206 {
        } else {
        }
        %rem3A_207 = arith.constant 2 : i32
        %rem3A_208 = arith.remui %scan3A_132, %rem3A_207 : i32
        %rem3A_209 = arith.constant 2 : i32
        %rem3A_210 = arith.remui %scan3A_133, %rem3A_209 : i32
        %run_scoped3A_211 = arith.constant 0 : i32
        "tpu.trace_start"() <{level = 10 : i32, message = "ep_run_kernel"}> : () -> ()
        "tpu.region"() ({
          %run_scoped3A_283 = tpu.sem_alloc : memref<!tpu.dma_semaphore, #tpu.memory_space<semaphore_mem>>
          %dma_start3A_284 = arith.constant 0 : i32
          %dma_start3A_285 = arith.constant 0 : i32
          %dma_start3A_286 = tpu.memref_slice %run_scoped3A_17[%rem3A_210, %dma_start3A_284, %dma_start3A_285] : memref<2x128x256xf32, #tpu.memory_space<vmem>> -> memref<1x128x256xf32, #tpu.memory_space<vmem>>
          %dma_start3A_287 = tpu.memref_squeeze %dma_start3A_286 : memref<1x128x256xf32, #tpu.memory_space<vmem>> -> memref<128x256xf32, #tpu.memory_space<vmem>>
          %dma_start3A_288 = arith.constant 0 : i32
          %dma_start3A_289 = arith.constant 0 : i32
          %dma_start3A_290 = tpu.memref_slice %run_scoped3A[%rem3A_208, %dma_start3A_288, %dma_start3A_289] : memref<2x1x128xi32, #tpu.memory_space<vmem>> -> memref<1x1x128xi32, #tpu.memory_space<vmem>>
          %dma_start3A_291 = tpu.memref_squeeze %dma_start3A_290 : memref<1x1x128xi32, #tpu.memory_space<vmem>> -> memref<1x128xi32, #tpu.memory_space<vmem>>
          %dma_start3A_292 = arith.constant 0 : i32
          %dma_start3A_293 = tpu.memref_slice %dma_start3A_291[%run_scoped3A_211, %dma_start3A_292] : memref<1x128xi32, #tpu.memory_space<vmem>> -> memref<1x128xi32, #tpu.memory_space<vmem>>
          %dma_start3A_294 = tpu.memref_squeeze %dma_start3A_293 : memref<1x128xi32, #tpu.memory_space<vmem>> -> memref<128xi32, #tpu.memory_space<vmem>>
          %dma_start3A_295 = arith.constant 0 : i32
          %dma_start3A_296 = arith.constant 0 : i32
          %dma_start3A_297 = tpu.memref_slice %arg2[%dma_start3A_295, %dma_start3A_296] : memref<1024x256xf32, #tpu.memory_space<hbm>> -> memref<1024x256xf32, #tpu.memory_space<hbm>>
          tpu.enqueue_indirect_dma source(%dma_start3A_297 : memref<1024x256xf32, #tpu.memory_space<hbm>>) target(%dma_start3A_287 : memref<128x256xf32, #tpu.memory_space<vmem>>) offsets(%dma_start3A_294 : memref<128xi32, #tpu.memory_space<vmem>>) semaphore(%run_scoped3A_283 : memref<!tpu.dma_semaphore, #tpu.memory_space<semaphore_mem>>)
          %dma_wait3A_298 = arith.constant 0 : i32
          %dma_wait3A_299 = arith.constant 0 : i32
          %dma_wait3A_300 = tpu.memref_slice %run_scoped3A_17[%rem3A_210, %dma_wait3A_298, %dma_wait3A_299] : memref<2x128x256xf32, #tpu.memory_space<vmem>> -> memref<1x128x256xf32, #tpu.memory_space<vmem>>
          %dma_wait3A_301 = tpu.memref_squeeze %dma_wait3A_300 : memref<1x128x256xf32, #tpu.memory_space<vmem>> -> memref<128x256xf32, #tpu.memory_space<vmem>>
          %dma_wait3A_302 = arith.constant 0 : i32
          %dma_wait3A_303 = arith.constant 0 : i32
          %dma_wait3A_304 = tpu.memref_slice %run_scoped3A[%rem3A_208, %dma_wait3A_302, %dma_wait3A_303] : memref<2x1x128xi32, #tpu.memory_space<vmem>> -> memref<1x1x128xi32, #tpu.memory_space<vmem>>
          %dma_wait3A_305 = tpu.memref_squeeze %dma_wait3A_304 : memref<1x1x128xi32, #tpu.memory_space<vmem>> -> memref<1x128xi32, #tpu.memory_space<vmem>>
          %dma_wait3A_306 = arith.constant 0 : i32
          %dma_wait3A_307 = tpu.memref_slice %dma_wait3A_305[%run_scoped3A_211, %dma_wait3A_306] : memref<1x128xi32, #tpu.memory_space<vmem>> -> memref<1x128xi32, #tpu.memory_space<vmem>>
          %dma_wait3A_308 = tpu.memref_squeeze %dma_wait3A_307 : memref<1x128xi32, #tpu.memory_space<vmem>> -> memref<128xi32, #tpu.memory_space<vmem>>
          %dma_wait3A_309 = arith.constant 0 : i32
          %dma_wait3A_310 = arith.constant 0 : i32
          %dma_wait3A_311 = tpu.memref_slice %arg2[%dma_wait3A_309, %dma_wait3A_310] : memref<1024x256xf32, #tpu.memory_space<hbm>> -> memref<1024x256xf32, #tpu.memory_space<hbm>>
          tpu.wait_indirect_dma semaphore(%run_scoped3A_283 : memref<!tpu.dma_semaphore, #tpu.memory_space<semaphore_mem>>) src(%dma_wait3A_311 : memref<1024x256xf32, #tpu.memory_space<hbm>>) dst(%dma_wait3A_301 : memref<128x256xf32, #tpu.memory_space<vmem>>)
          tpu.yield
        }) : () -> ()
        "tpu.trace_stop"() : () -> ()
        %ne3A_212 = arith.cmpi ne, %add3A_140, %add3A_158 : i32
        %or3A_213 = arith.constant false
        %or3A_214 = arith.ori %or3A_213, %ne3A_212 : i1
        %or3A_215 = arith.constant false
        %or3A_216 = arith.ori %or3A_214, %or3A_215 : i1
        %or3A_217 = arith.ori %or3A_216, %eq3A_139 : i1
        %convert_element_type3A_218 = arith.extui %or3A_217 : i1 to i32
        %cond3A_219 = arith.constant 0 : i32
        %cond3A_220 = arith.cmpi ne, %convert_element_type3A_218, %cond3A_219 : i32
        scf.if %cond3A_220 {
        } else {
        }
        %and3A_221 = arith.constant false
        %and3A_222 = arith.andi %or3A_217, %and3A_221 : i1
        %ne3A_223 = arith.cmpi ne, %add3A_140, %add3A_158 : i32
        %or3A_224 = arith.constant false
        %or3A_225 = arith.ori %or3A_224, %ne3A_223 : i1
        %or3A_226 = arith.constant false
        %or3A_227 = arith.ori %or3A_225, %or3A_226 : i1
        %or3A_228 = arith.ori %or3A_227, %eq3A_139 : i1
        %convert_element_type3A_229 = arith.extui %or3A_228 : i1 to i32
        %cond3A_230 = arith.constant 0 : i32
        %cond3A_231 = arith.cmpi ne, %convert_element_type3A_229, %cond3A_230 : i32
        scf.if %cond3A_231 {
          "tpu.trace_start"() <{level = 10 : i32, message = "ep_copy_out"}> : () -> ()
          %rem3A_283 = arith.constant 2 : i32
          %rem3A_284 = arith.remui %scan3A_133, %rem3A_283 : i32
          %mul3A_285 = arith.constant 128 : i32
          %mul3A_286 = arith.muli %mul3A_285, %add3A_140 : i32
          %dma_start3A_287 = arith.constant 0 : i32
          %dma_start3A_288 = arith.constant 0 : i32
          %dma_start3A_289 = tpu.memref_slice %run_scoped3A_17[%rem3A_284, %dma_start3A_287, %dma_start3A_288] : memref<2x128x256xf32, #tpu.memory_space<vmem>> -> memref<1x128x256xf32, #tpu.memory_space<vmem>>
          %dma_start3A_290 = tpu.memref_squeeze %dma_start3A_289 : memref<1x128x256xf32, #tpu.memory_space<vmem>> -> memref<128x256xf32, #tpu.memory_space<vmem>>
          %dma_start3A_291 = arith.constant 0 : i32
          %dma_start3A_292 = tpu.memref_slice %arg6[%mul3A_286, %dma_start3A_291] : memref<8192x512xf32, #tpu.memory_space<hbm>> -> memref<128x256xf32, #tpu.memory_space<hbm>>
          %dma_start3A_293 = tpu.memref_slice %run_scoped3A_18[%rem3A_284] : memref<2x!tpu.dma_semaphore, #tpu.memory_space<semaphore_mem>> -> memref<1x!tpu.dma_semaphore, #tpu.memory_space<semaphore_mem>>
          %dma_start3A_294 = tpu.memref_squeeze %dma_start3A_293 : memref<1x!tpu.dma_semaphore, #tpu.memory_space<semaphore_mem>> -> memref<!tpu.dma_semaphore, #tpu.memory_space<semaphore_mem>>
          %dma_start3A_295 = arith.constant 0 : i32
          %dma_start3A_296 = tpu.memref_slice %arg6[%mul3A_286, %dma_start3A_295] : memref<8192x512xf32, #tpu.memory_space<hbm>> -> memref<128x256xf32, #tpu.memory_space<hbm>>
          %dma_start3A_297 = arith.constant 0 : i32
          %dma_start3A_298 = arith.constant 0 : i32
          %dma_start3A_299 = tpu.memref_slice %run_scoped3A_17[%rem3A_284, %dma_start3A_297, %dma_start3A_298] : memref<2x128x256xf32, #tpu.memory_space<vmem>> -> memref<1x128x256xf32, #tpu.memory_space<vmem>>
          %dma_start3A_300 = tpu.memref_squeeze %dma_start3A_299 : memref<1x128x256xf32, #tpu.memory_space<vmem>> -> memref<128x256xf32, #tpu.memory_space<vmem>>
          tpu.enqueue_dma source(%dma_start3A_300 : memref<128x256xf32, #tpu.memory_space<vmem>>) target(%dma_start3A_296 : memref<128x256xf32, #tpu.memory_space<hbm>>) target_semaphore(%dma_start3A_294 : memref<!tpu.dma_semaphore, #tpu.memory_space<semaphore_mem>>)
          "tpu.trace_stop"() : () -> ()
        } else {
        }
        %and3A_232 = arith.constant true
        %and3A_233 = arith.andi %or3A_228, %and3A_232 : i1
        %add3A_234 = arith.constant 1 : i32
        %add3A_235 = arith.addi %scan3A_133, %add3A_234 : i32
        %select_n3A_236 = arith.select %and3A_233, %add3A_235, %scan3A_133 : i32
        %ne3A_237 = arith.cmpi ne, %add3A_140, %add3A_149 : i32
        %or3A_238 = arith.constant false
        %or3A_239 = arith.ori %or3A_238, %ne3A_237 : i1
        %or3A_240 = arith.constant false
        %or3A_241 = arith.ori %or3A_239, %or3A_240 : i1
        %not3A_242 = arith.constant true
        %not3A_243 = arith.xori %eq3A_137, %not3A_242 : i1
        %and3A_244 = arith.andi %or3A_241, %not3A_243 : i1
        %convert_element_type3A_245 = arith.extui %and3A_244 : i1 to i32
        %cond3A_246 = arith.constant 0 : i32
        %cond3A_247 = arith.cmpi ne, %convert_element_type3A_245, %cond3A_246 : i32
        scf.if %cond3A_247 {
        } else {
        }
        %and3A_248 = arith.constant false
        %and3A_249 = arith.andi %and3A_244, %and3A_248 : i1
        %ne3A_250 = arith.cmpi ne, %add3A_140, %add3A_149 : i32
        %or3A_251 = arith.constant false
        %or3A_252 = arith.ori %or3A_251, %ne3A_250 : i1
        %or3A_253 = arith.constant false
        %or3A_254 = arith.ori %or3A_252, %or3A_253 : i1
        %not3A_255 = arith.constant true
        %not3A_256 = arith.xori %eq3A_137, %not3A_255 : i1
        %and3A_257 = arith.andi %or3A_254, %not3A_256 : i1
        %convert_element_type3A_258 = arith.extui %and3A_257 : i1 to i32
        %cond3A_259 = arith.constant 0 : i32
        %cond3A_260 = arith.cmpi ne, %convert_element_type3A_258, %cond3A_259 : i32
        scf.if %cond3A_260 {
          "tpu.trace_start"() <{level = 10 : i32, message = "ep_wait_out"}> : () -> ()
          %rem3A_283 = arith.constant 2 : i32
          %rem3A_284 = arith.remui %scan3A_134, %rem3A_283 : i32
          %mul3A_285 = arith.constant 128 : i32
          %mul3A_286 = arith.muli %mul3A_285, %add3A_149 : i32
          %dma_wait3A_287 = arith.constant 0 : i32
          %dma_wait3A_288 = arith.constant 0 : i32
          %dma_wait3A_289 = tpu.memref_slice %run_scoped3A_17[%rem3A_284, %dma_wait3A_287, %dma_wait3A_288] : memref<2x128x256xf32, #tpu.memory_space<vmem>> -> memref<1x128x256xf32, #tpu.memory_space<vmem>>
          %dma_wait3A_290 = tpu.memref_squeeze %dma_wait3A_289 : memref<1x128x256xf32, #tpu.memory_space<vmem>> -> memref<128x256xf32, #tpu.memory_space<vmem>>
          %dma_wait3A_291 = arith.constant 0 : i32
          %dma_wait3A_292 = tpu.memref_slice %arg6[%mul3A_286, %dma_wait3A_291] : memref<8192x512xf32, #tpu.memory_space<hbm>> -> memref<128x256xf32, #tpu.memory_space<hbm>>
          %dma_wait3A_293 = tpu.memref_slice %run_scoped3A_18[%rem3A_284] : memref<2x!tpu.dma_semaphore, #tpu.memory_space<semaphore_mem>> -> memref<1x!tpu.dma_semaphore, #tpu.memory_space<semaphore_mem>>
          %dma_wait3A_294 = tpu.memref_squeeze %dma_wait3A_293 : memref<1x!tpu.dma_semaphore, #tpu.memory_space<semaphore_mem>> -> memref<!tpu.dma_semaphore, #tpu.memory_space<semaphore_mem>>
          %dma_wait3A_295 = arith.constant 0 : i32
          %dma_wait3A_296 = tpu.memref_slice %arg6[%mul3A_286, %dma_wait3A_295] : memref<8192x512xf32, #tpu.memory_space<hbm>> -> memref<128x256xf32, #tpu.memory_space<hbm>>
          %dma_wait3A_297 = arith.constant 0 : i32
          %dma_wait3A_298 = arith.constant 0 : i32
          %dma_wait3A_299 = tpu.memref_slice %run_scoped3A_17[%rem3A_284, %dma_wait3A_297, %dma_wait3A_298] : memref<2x128x256xf32, #tpu.memory_space<vmem>> -> memref<1x128x256xf32, #tpu.memory_space<vmem>>
          %dma_wait3A_300 = tpu.memref_squeeze %dma_wait3A_299 : memref<1x128x256xf32, #tpu.memory_space<vmem>> -> memref<128x256xf32, #tpu.memory_space<vmem>>
          tpu.wait_dma2 semaphore(%dma_wait3A_294 : memref<!tpu.dma_semaphore, #tpu.memory_space<semaphore_mem>>) src(%dma_wait3A_300 : memref<128x256xf32, #tpu.memory_space<vmem>>) dst(%dma_wait3A_296 : memref<128x256xf32, #tpu.memory_space<hbm>>)
          "tpu.trace_stop"() : () -> ()
        } else {
        }
        %and3A_261 = arith.constant true
        %and3A_262 = arith.andi %and3A_257, %and3A_261 : i1
        %add3A_263 = arith.constant 1 : i32
        %add3A_264 = arith.addi %scan3A_134, %add3A_263 : i32
        %select_n3A_265 = arith.select %and3A_262, %add3A_264, %scan3A_134 : i32
        %ne3A_266 = arith.cmpi ne, %add3A_140, %add3A_158 : i32
        %or3A_267 = arith.constant false
        %or3A_268 = arith.ori %or3A_267, %ne3A_266 : i1
        %or3A_269 = arith.constant false
        %or3A_270 = arith.ori %or3A_268, %or3A_269 : i1
        %or3A_271 = arith.ori %or3A_270, %eq3A_139 : i1
        %add3A_272 = arith.constant 1 : i32
        %add3A_273 = arith.addi %scan3A_132, %add3A_272 : i32
        %select_n3A_274 = arith.select %or3A_271, %add3A_273, %scan3A_132 : i32
        %add3A_275 = arith.constant 1 : i32
        %add3A_276 = arith.addi %scan3A_135, %add3A_275 : i32
        %select_n3A_277 = arith.constant true
        %select_n3A_278 = arith.select %select_n3A_277, %add3A_276, %scan3A_135 : i32
        %eq3A_279 = arith.constant 2 : i32
        %eq3A_280 = arith.cmpi eq, %select_n3A_278, %eq3A_279 : i32
        %select_n3A_281 = arith.constant 0 : i32
        %select_n3A_282 = arith.select %eq3A_280, %select_n3A_281, %select_n3A_278 : i32
        scf.yield %select_n3A_178, %select_n3A_274, %select_n3A_236, %select_n3A_265, %select_n3A_282 : i32, i32, i32, i32, i32
      }
      %scan3A_77 = arith.constant 2 : i32
      %sub3A = arith.constant 1 : i32
      %sub3A_78 = arith.subi %scan3A_76#4, %sub3A : i32
      %select_n3A_79 = arith.constant true
      %select_n3A_80 = arith.select %select_n3A_79, %sub3A_78, %scan3A_76#4 : i32
      %eq3A_81 = arith.constant -1 : i32
      %eq3A_82 = arith.cmpi eq, %select_n3A_80, %eq3A_81 : i32
      %select_n3A_83 = arith.constant 1 : i32
      %select_n3A_84 = arith.select %eq3A_82, %select_n3A_83, %select_n3A_80 : i32
      %add3A_85 = arith.addi %select_n3A_84, %mul3A_6 : i32
      %sub3A_86 = arith.constant 1 : i32
      %sub3A_87 = arith.subi %select_n3A_84, %sub3A_86 : i32
      %select_n3A_88 = arith.constant true
      %select_n3A_89 = arith.select %select_n3A_88, %sub3A_87, %select_n3A_84 : i32
      %eq3A_90 = arith.constant -1 : i32
      %eq3A_91 = arith.cmpi eq, %select_n3A_89, %eq3A_90 : i32
      %select_n3A_92 = arith.constant 1 : i32
      %select_n3A_93 = arith.select %eq3A_91, %select_n3A_92, %select_n3A_89 : i32
      %add3A_94 = arith.addi %select_n3A_93, %mul3A_6 : i32
      %add3A_95 = arith.constant 1 : i32
      %add3A_96 = arith.addi %select_n3A_84, %add3A_95 : i32
      %select_n3A_97 = arith.constant true
      %select_n3A_98 = arith.select %select_n3A_97, %add3A_96, %select_n3A_84 : i32
      %eq3A_99 = arith.constant 2 : i32
      %eq3A_100 = arith.cmpi eq, %select_n3A_98, %eq3A_99 : i32
      %select_n3A_101 = arith.constant 0 : i32
      %select_n3A_102 = arith.select %eq3A_100, %select_n3A_101, %select_n3A_98 : i32
      %add3A_103 = arith.addi %select_n3A_102, %mul3A_6 : i32
      %add3A_104 = arith.constant 1 : i32
      %add3A_105 = arith.addi %select_n3A_102, %add3A_104 : i32
      %select_n3A_106 = arith.constant true
      %select_n3A_107 = arith.select %select_n3A_106, %add3A_105, %select_n3A_102 : i32
      %eq3A_108 = arith.constant 2 : i32
      %eq3A_109 = arith.cmpi eq, %select_n3A_107, %eq3A_108 : i32
      %select_n3A_110 = arith.constant 0 : i32
      %select_n3A_111 = arith.select %eq3A_109, %select_n3A_110, %select_n3A_107 : i32
      %add3A_112 = arith.addi %select_n3A_111, %mul3A_6 : i32
      "tpu.trace_start"() <{level = 10 : i32, message = "ep_finalize"}> : () -> ()
      %rem3A_113 = arith.constant 2 : i32
      %rem3A_114 = arith.remui %scan3A_76#3, %rem3A_113 : i32
      %mul3A_115 = arith.constant 128 : i32
      %mul3A_116 = arith.muli %mul3A_115, %add3A_85 : i32
      %dma_wait3A = arith.constant 0 : i32
      %dma_wait3A_117 = arith.constant 0 : i32
      %dma_wait3A_118 = tpu.memref_slice %run_scoped3A_17[%rem3A_114, %dma_wait3A, %dma_wait3A_117] : memref<2x128x256xf32, #tpu.memory_space<vmem>> -> memref<1x128x256xf32, #tpu.memory_space<vmem>>
      %dma_wait3A_119 = tpu.memref_squeeze %dma_wait3A_118 : memref<1x128x256xf32, #tpu.memory_space<vmem>> -> memref<128x256xf32, #tpu.memory_space<vmem>>
      %dma_wait3A_120 = arith.constant 0 : i32
      %dma_wait3A_121 = tpu.memref_slice %arg6[%mul3A_116, %dma_wait3A_120] : memref<8192x512xf32, #tpu.memory_space<hbm>> -> memref<128x256xf32, #tpu.memory_space<hbm>>
      %dma_wait3A_122 = tpu.memref_slice %run_scoped3A_18[%rem3A_114] : memref<2x!tpu.dma_semaphore, #tpu.memory_space<semaphore_mem>> -> memref<1x!tpu.dma_semaphore, #tpu.memory_space<semaphore_mem>>
      %dma_wait3A_123 = tpu.memref_squeeze %dma_wait3A_122 : memref<1x!tpu.dma_semaphore, #tpu.memory_space<semaphore_mem>> -> memref<!tpu.dma_semaphore, #tpu.memory_space<semaphore_mem>>
      %dma_wait3A_124 = arith.constant 0 : i32
      %dma_wait3A_125 = tpu.memref_slice %arg6[%mul3A_116, %dma_wait3A_124] : memref<8192x512xf32, #tpu.memory_space<hbm>> -> memref<128x256xf32, #tpu.memory_space<hbm>>
      %dma_wait3A_126 = arith.constant 0 : i32
      %dma_wait3A_127 = arith.constant 0 : i32
      %dma_wait3A_128 = tpu.memref_slice %run_scoped3A_17[%rem3A_114, %dma_wait3A_126, %dma_wait3A_127] : memref<2x128x256xf32, #tpu.memory_space<vmem>> -> memref<1x128x256xf32, #tpu.memory_space<vmem>>
      %dma_wait3A_129 = tpu.memref_squeeze %dma_wait3A_128 : memref<1x128x256xf32, #tpu.memory_space<vmem>> -> memref<128x256xf32, #tpu.memory_space<vmem>>
      tpu.wait_dma2 semaphore(%dma_wait3A_123 : memref<!tpu.dma_semaphore, #tpu.memory_space<semaphore_mem>>) src(%dma_wait3A_129 : memref<128x256xf32, #tpu.memory_space<vmem>>) dst(%dma_wait3A_125 : memref<128x256xf32, #tpu.memory_space<hbm>>)
      "tpu.trace_stop"() : () -> ()
      tpu.yield
    }) : () -> ()
    %mul3A_7 = arith.constant 1 : i32
    %mul3A_8 = arith.muli %arg1, %mul3A_7 : i32
    %add3A_9 = arith.constant 0 : i32
    %add3A_10 = arith.addi %add3A_9, %mul3A_8 : i32
    %mul3A_11 = arith.constant 16 : i32
    %mul3A_12 = arith.muli %arg0, %mul3A_11 : i32
    %add3A_13 = arith.addi %add3A_10, %mul3A_12 : i32
    %mul3A_14 = arith.constant 2 : i32
    %mul3A_15 = arith.muli %add3A_13, %mul3A_14 : i32
    "tpu.region"() ({
      %run_scoped3A = memref.alloca() : memref<2x1x128xi32, #tpu.memory_space<vmem>>
      %run_scoped3A_16 = tpu.sem_alloc : memref<2x!tpu.dma_semaphore, #tpu.memory_space<semaphore_mem>>
      %run_scoped3A_17 = memref.alloca() : memref<2x128x256xf32, #tpu.memory_space<vmem>>
      %run_scoped3A_18 = tpu.sem_alloc : memref<2x!tpu.dma_semaphore, #tpu.memory_space<semaphore_mem>>
      %add3A_19 = arith.constant 0 : i32
      %add3A_20 = arith.addi %add3A_19, %mul3A_15 : i32
      %select_n3A = arith.constant true
      %select_n3A_21 = arith.constant 0 : i32
      %select_n3A_22 = arith.constant -1 : i32
      %select_n3A_23 = arith.select %select_n3A, %select_n3A_22, %select_n3A_21 : i32
      %eq3A = arith.constant -1 : i32
      %eq3A_24 = arith.cmpi eq, %select_n3A_23, %eq3A : i32
      %select_n3A_25 = arith.constant 1 : i32
      %select_n3A_26 = arith.select %eq3A_24, %select_n3A_25, %select_n3A_23 : i32
      %add3A_27 = arith.addi %select_n3A_26, %mul3A_15 : i32
      %select_n3A_28 = arith.constant true
      %select_n3A_29 = arith.constant 0 : i32
      %select_n3A_30 = arith.constant 1 : i32
      %select_n3A_31 = arith.select %select_n3A_28, %select_n3A_30, %select_n3A_29 : i32
      %eq3A_32 = arith.constant 2 : i32
      %eq3A_33 = arith.cmpi eq, %select_n3A_31, %eq3A_32 : i32
      %select_n3A_34 = arith.constant 0 : i32
      %select_n3A_35 = arith.select %eq3A_33, %select_n3A_34, %select_n3A_31 : i32
      %add3A_36 = arith.addi %select_n3A_35, %mul3A_15 : i32
      %add3A_37 = arith.constant 1 : i32
      %add3A_38 = arith.addi %select_n3A_35, %add3A_37 : i32
      %select_n3A_39 = arith.constant true
      %select_n3A_40 = arith.select %select_n3A_39, %add3A_38, %select_n3A_35 : i32
      %eq3A_41 = arith.constant 2 : i32
      %eq3A_42 = arith.cmpi eq, %select_n3A_40, %eq3A_41 : i32
      %select_n3A_43 = arith.constant 0 : i32
      %select_n3A_44 = arith.select %eq3A_42, %select_n3A_43, %select_n3A_40 : i32
      %add3A_45 = arith.addi %select_n3A_44, %mul3A_15 : i32
      "tpu.trace_start"() <{level = 10 : i32, message = "ep_initialize_0"}> : () -> ()
      %rem3A = arith.constant 0 : i32
      %rem3A_46 = arith.constant 2 : i32
      %rem3A_47 = arith.remui %rem3A, %rem3A_46 : i32
      %mul3A_48 = arith.constant 1 : i32
      %mul3A_49 = arith.muli %mul3A_48, %add3A_20 : i32
      %dma_start3A = arith.constant 0 : i32
      %dma_start3A_50 = arith.constant 0 : i32
      %dma_start3A_51 = tpu.memref_slice %run_scoped3A[%rem3A_47, %dma_start3A, %dma_start3A_50] : memref<2x1x128xi32, #tpu.memory_space<vmem>> -> memref<1x1x128xi32, #tpu.memory_space<vmem>>
      %dma_start3A_52 = tpu.memref_squeeze %dma_start3A_51 : memref<1x1x128xi32, #tpu.memory_space<vmem>> -> memref<1x128xi32, #tpu.memory_space<vmem>>
      %dma_start3A_53 = arith.constant 0 : i32
      %dma_start3A_54 = tpu.memref_slice %arg5[%mul3A_49, %dma_start3A_53] : memref<64x128xi32, #tpu.memory_space<hbm>> -> memref<1x128xi32, #tpu.memory_space<hbm>>
      %dma_start3A_55 = tpu.memref_slice %run_scoped3A_16[%rem3A_47] : memref<2x!tpu.dma_semaphore, #tpu.memory_space<semaphore_mem>> -> memref<1x!tpu.dma_semaphore, #tpu.memory_space<semaphore_mem>>
      %dma_start3A_56 = tpu.memref_squeeze %dma_start3A_55 : memref<1x!tpu.dma_semaphore, #tpu.memory_space<semaphore_mem>> -> memref<!tpu.dma_semaphore, #tpu.memory_space<semaphore_mem>>
      %dma_start3A_57 = arith.constant 0 : i32
      %dma_start3A_58 = arith.constant 0 : i32
      %dma_start3A_59 = tpu.memref_slice %run_scoped3A[%rem3A_47, %dma_start3A_57, %dma_start3A_58] : memref<2x1x128xi32, #tpu.memory_space<vmem>> -> memref<1x1x128xi32, #tpu.memory_space<vmem>>
      %dma_start3A_60 = tpu.memref_squeeze %dma_start3A_59 : memref<1x1x128xi32, #tpu.memory_space<vmem>> -> memref<1x128xi32, #tpu.memory_space<vmem>>
      %dma_start3A_61 = arith.constant 0 : i32
      %dma_start3A_62 = tpu.memref_slice %arg5[%mul3A_49, %dma_start3A_61] : memref<64x128xi32, #tpu.memory_space<hbm>> -> memref<1x128xi32, #tpu.memory_space<hbm>>
      tpu.enqueue_dma source(%dma_start3A_62 : memref<1x128xi32, #tpu.memory_space<hbm>>) target(%dma_start3A_60 : memref<1x128xi32, #tpu.memory_space<vmem>>) target_semaphore(%dma_start3A_56 : memref<!tpu.dma_semaphore, #tpu.memory_space<semaphore_mem>>)
      %add3A_63 = arith.constant 0 : i32
      %add3A_64 = arith.constant 1 : i32
      %add3A_65 = arith.addi %add3A_63, %add3A_64 : i32
      %select_n3A_66 = arith.constant true
      %select_n3A_67 = arith.constant 0 : i32
      %select_n3A_68 = arith.select %select_n3A_66, %add3A_65, %select_n3A_67 : i32
      "tpu.trace_stop"() : () -> ()
      %scan3A = arith.constant 0 : i32
      %scan3A_69 = arith.constant 0 : i32
      %scan3A_70 = arith.constant 0 : i32
      %scan3A_71 = arith.constant 0 : i32
      %scan3A_72 = arith.constant 0 : i32
      %scan3A_73 = arith.constant 2 : i32
      %scan3A_74 = arith.addi %scan3A_72, %scan3A_73 : i32
      %scan3A_75 = arith.constant 1 : i32
      %scan3A_76:5 = scf.for %scan3A_130 = %scan3A_72 to %scan3A_74 step %scan3A_75 iter_args(%scan3A_131 = %select_n3A_68, %scan3A_132 = %scan3A, %scan3A_133 = %scan3A_69, %scan3A_134 = %scan3A_70, %scan3A_135 = %scan3A_71) -> (i32, i32, i32, i32, i32)  : i32 {
        %eq3A_136 = arith.constant 0 : i32
        %eq3A_137 = arith.cmpi eq, %scan3A_130, %eq3A_136 : i32
        %eq3A_138 = arith.constant 1 : i32
        %eq3A_139 = arith.cmpi eq, %scan3A_130, %eq3A_138 : i32
        %add3A_140 = arith.addi %scan3A_135, %mul3A_15 : i32
        %sub3A_141 = arith.constant 1 : i32
        %sub3A_142 = arith.subi %scan3A_135, %sub3A_141 : i32
        %select_n3A_143 = arith.constant true
        %select_n3A_144 = arith.select %select_n3A_143, %sub3A_142, %scan3A_135 : i32
        %eq3A_145 = arith.constant -1 : i32
        %eq3A_146 = arith.cmpi eq, %select_n3A_144, %eq3A_145 : i32
        %select_n3A_147 = arith.constant 1 : i32
        %select_n3A_148 = arith.select %eq3A_146, %select_n3A_147, %select_n3A_144 : i32
        %add3A_149 = arith.addi %select_n3A_148, %mul3A_15 : i32
        %add3A_150 = arith.constant 1 : i32
        %add3A_151 = arith.addi %scan3A_135, %add3A_150 : i32
        %select_n3A_152 = arith.constant true
        %select_n3A_153 = arith.select %select_n3A_152, %add3A_151, %scan3A_135 : i32
        %eq3A_154 = arith.constant 2 : i32
        %eq3A_155 = arith.cmpi eq, %select_n3A_153, %eq3A_154 : i32
        %select_n3A_156 = arith.constant 0 : i32
        %select_n3A_157 = arith.select %eq3A_155, %select_n3A_156, %select_n3A_153 : i32
        %add3A_158 = arith.addi %select_n3A_157, %mul3A_15 : i32
        %add3A_159 = arith.constant 1 : i32
        %add3A_160 = arith.addi %select_n3A_157, %add3A_159 : i32
        %select_n3A_161 = arith.constant true
        %select_n3A_162 = arith.select %select_n3A_161, %add3A_160, %select_n3A_157 : i32
        %eq3A_163 = arith.constant 2 : i32
        %eq3A_164 = arith.cmpi eq, %select_n3A_162, %eq3A_163 : i32
        %select_n3A_165 = arith.constant 0 : i32
        %select_n3A_166 = arith.select %eq3A_164, %select_n3A_165, %select_n3A_162 : i32
        %add3A_167 = arith.addi %select_n3A_166, %mul3A_15 : i32
        %ne3A = arith.cmpi ne, %add3A_140, %add3A_158 : i32
        %or3A = arith.constant false
        %or3A_168 = arith.ori %or3A, %ne3A : i1
        %or3A_169 = arith.constant false
        %or3A_170 = arith.ori %or3A_168, %or3A_169 : i1
        %ge3A = arith.constant 1 : i32
        %ge3A_171 = arith.cmpi sge, %scan3A_130, %ge3A : i32
        %not3A = arith.constant true
        %not3A_172 = arith.xori %ge3A_171, %not3A : i1
        %and3A = arith.andi %or3A_170, %not3A_172 : i1
        %convert_element_type3A = arith.extui %and3A : i1 to i32
        %cond3A = arith.constant 0 : i32
        %cond3A_173 = arith.cmpi ne, %convert_element_type3A, %cond3A : i32
        scf.if %cond3A_173 {
          "tpu.trace_start"() <{level = 10 : i32, message = "ep_copy_in"}> : () -> ()
          %rem3A_283 = arith.constant 2 : i32
          %rem3A_284 = arith.remui %scan3A_131, %rem3A_283 : i32
          %mul3A_285 = arith.constant 1 : i32
          %mul3A_286 = arith.muli %mul3A_285, %add3A_158 : i32
          %dma_start3A_287 = arith.constant 0 : i32
          %dma_start3A_288 = arith.constant 0 : i32
          %dma_start3A_289 = tpu.memref_slice %run_scoped3A[%rem3A_284, %dma_start3A_287, %dma_start3A_288] : memref<2x1x128xi32, #tpu.memory_space<vmem>> -> memref<1x1x128xi32, #tpu.memory_space<vmem>>
          %dma_start3A_290 = tpu.memref_squeeze %dma_start3A_289 : memref<1x1x128xi32, #tpu.memory_space<vmem>> -> memref<1x128xi32, #tpu.memory_space<vmem>>
          %dma_start3A_291 = arith.constant 0 : i32
          %dma_start3A_292 = tpu.memref_slice %arg5[%mul3A_286, %dma_start3A_291] : memref<64x128xi32, #tpu.memory_space<hbm>> -> memref<1x128xi32, #tpu.memory_space<hbm>>
          %dma_start3A_293 = tpu.memref_slice %run_scoped3A_16[%rem3A_284] : memref<2x!tpu.dma_semaphore, #tpu.memory_space<semaphore_mem>> -> memref<1x!tpu.dma_semaphore, #tpu.memory_space<semaphore_mem>>
          %dma_start3A_294 = tpu.memref_squeeze %dma_start3A_293 : memref<1x!tpu.dma_semaphore, #tpu.memory_space<semaphore_mem>> -> memref<!tpu.dma_semaphore, #tpu.memory_space<semaphore_mem>>
          %dma_start3A_295 = arith.constant 0 : i32
          %dma_start3A_296 = arith.constant 0 : i32
          %dma_start3A_297 = tpu.memref_slice %run_scoped3A[%rem3A_284, %dma_start3A_295, %dma_start3A_296] : memref<2x1x128xi32, #tpu.memory_space<vmem>> -> memref<1x1x128xi32, #tpu.memory_space<vmem>>
          %dma_start3A_298 = tpu.memref_squeeze %dma_start3A_297 : memref<1x1x128xi32, #tpu.memory_space<vmem>> -> memref<1x128xi32, #tpu.memory_space<vmem>>
          %dma_start3A_299 = arith.constant 0 : i32
          %dma_start3A_300 = tpu.memref_slice %arg5[%mul3A_286, %dma_start3A_299] : memref<64x128xi32, #tpu.memory_space<hbm>> -> memref<1x128xi32, #tpu.memory_space<hbm>>
          tpu.enqueue_dma source(%dma_start3A_300 : memref<1x128xi32, #tpu.memory_space<hbm>>) target(%dma_start3A_298 : memref<1x128xi32, #tpu.memory_space<vmem>>) target_semaphore(%dma_start3A_294 : memref<!tpu.dma_semaphore, #tpu.memory_space<semaphore_mem>>)
          "tpu.trace_stop"() : () -> ()
        } else {
        }
        %and3A_174 = arith.constant true
        %and3A_175 = arith.andi %and3A, %and3A_174 : i1
        %add3A_176 = arith.constant 1 : i32
        %add3A_177 = arith.addi %scan3A_131, %add3A_176 : i32
        %select_n3A_178 = arith.select %and3A_175, %add3A_177, %scan3A_131 : i32
        %ne3A_179 = arith.cmpi ne, %add3A_140, %add3A_158 : i32
        %or3A_180 = arith.constant false
        %or3A_181 = arith.ori %or3A_180, %ne3A_179 : i1
        %or3A_182 = arith.constant false
        %or3A_183 = arith.ori %or3A_181, %or3A_182 : i1
        %ge3A_184 = arith.constant 1 : i32
        %ge3A_185 = arith.cmpi sge, %scan3A_130, %ge3A_184 : i32
        %not3A_186 = arith.constant true
        %not3A_187 = arith.xori %ge3A_185, %not3A_186 : i1
        %and3A_188 = arith.andi %or3A_183, %not3A_187 : i1
        %ne3A_189 = arith.cmpi ne, %add3A_140, %add3A_149 : i32
        %or3A_190 = arith.constant false
        %or3A_191 = arith.ori %or3A_190, %ne3A_189 : i1
        %or3A_192 = arith.constant false
        %or3A_193 = arith.ori %or3A_191, %or3A_192 : i1
        %or3A_194 = arith.ori %or3A_193, %eq3A_137 : i1
        %convert_element_type3A_195 = arith.extui %or3A_194 : i1 to i32
        %cond3A_196 = arith.constant 0 : i32
        %cond3A_197 = arith.cmpi ne, %convert_element_type3A_195, %cond3A_196 : i32
        scf.if %cond3A_197 {
          "tpu.trace_start"() <{level = 10 : i32, message = "ep_wait_in"}> : () -> ()
          %mul3A_283 = arith.constant 1 : i32
          %mul3A_284 = arith.muli %mul3A_283, %add3A_140 : i32
          %rem3A_285 = arith.constant 2 : i32
          %rem3A_286 = arith.remui %scan3A_132, %rem3A_285 : i32
          %dma_wait3A_287 = arith.constant 0 : i32
          %dma_wait3A_288 = arith.constant 0 : i32
          %dma_wait3A_289 = tpu.memref_slice %run_scoped3A[%rem3A_286, %dma_wait3A_287, %dma_wait3A_288] : memref<2x1x128xi32, #tpu.memory_space<vmem>> -> memref<1x1x128xi32, #tpu.memory_space<vmem>>
          %dma_wait3A_290 = tpu.memref_squeeze %dma_wait3A_289 : memref<1x1x128xi32, #tpu.memory_space<vmem>> -> memref<1x128xi32, #tpu.memory_space<vmem>>
          %dma_wait3A_291 = arith.constant 0 : i32
          %dma_wait3A_292 = tpu.memref_slice %arg5[%mul3A_284, %dma_wait3A_291] : memref<64x128xi32, #tpu.memory_space<hbm>> -> memref<1x128xi32, #tpu.memory_space<hbm>>
          %dma_wait3A_293 = tpu.memref_slice %run_scoped3A_16[%rem3A_286] : memref<2x!tpu.dma_semaphore, #tpu.memory_space<semaphore_mem>> -> memref<1x!tpu.dma_semaphore, #tpu.memory_space<semaphore_mem>>
          %dma_wait3A_294 = tpu.memref_squeeze %dma_wait3A_293 : memref<1x!tpu.dma_semaphore, #tpu.memory_space<semaphore_mem>> -> memref<!tpu.dma_semaphore, #tpu.memory_space<semaphore_mem>>
          %dma_wait3A_295 = arith.constant 0 : i32
          %dma_wait3A_296 = arith.constant 0 : i32
          %dma_wait3A_297 = tpu.memref_slice %run_scoped3A[%rem3A_286, %dma_wait3A_295, %dma_wait3A_296] : memref<2x1x128xi32, #tpu.memory_space<vmem>> -> memref<1x1x128xi32, #tpu.memory_space<vmem>>
          %dma_wait3A_298 = tpu.memref_squeeze %dma_wait3A_297 : memref<1x1x128xi32, #tpu.memory_space<vmem>> -> memref<1x128xi32, #tpu.memory_space<vmem>>
          %dma_wait3A_299 = arith.constant 0 : i32
          %dma_wait3A_300 = tpu.memref_slice %arg5[%mul3A_284, %dma_wait3A_299] : memref<64x128xi32, #tpu.memory_space<hbm>> -> memref<1x128xi32, #tpu.memory_space<hbm>>
          tpu.wait_dma2 semaphore(%dma_wait3A_294 : memref<!tpu.dma_semaphore, #tpu.memory_space<semaphore_mem>>) src(%dma_wait3A_300 : memref<1x128xi32, #tpu.memory_space<hbm>>) dst(%dma_wait3A_298 : memref<1x128xi32, #tpu.memory_space<vmem>>)
          "tpu.trace_stop"() : () -> ()
        } else {
        }
        %ne3A_198 = arith.cmpi ne, %add3A_140, %add3A_149 : i32
        %or3A_199 = arith.constant false
        %or3A_200 = arith.ori %or3A_199, %ne3A_198 : i1
        %or3A_201 = arith.constant false
        %or3A_202 = arith.ori %or3A_200, %or3A_201 : i1
        %or3A_203 = arith.ori %or3A_202, %eq3A_137 : i1
        %convert_element_type3A_204 = arith.extui %or3A_203 : i1 to i32
        %cond3A_205 = arith.constant 0 : i32
        %cond3A_206 = arith.cmpi ne, %convert_element_type3A_204, %cond3A_205 : i32
        scf.if %cond3A_206 {
        } else {
        }
        %rem3A_207 = arith.constant 2 : i32
        %rem3A_208 = arith.remui %scan3A_132, %rem3A_207 : i32
        %rem3A_209 = arith.constant 2 : i32
        %rem3A_210 = arith.remui %scan3A_133, %rem3A_209 : i32
        %run_scoped3A_211 = arith.constant 0 : i32
        "tpu.trace_start"() <{level = 10 : i32, message = "ep_run_kernel"}> : () -> ()
        "tpu.region"() ({
          %run_scoped3A_283 = tpu.sem_alloc : memref<!tpu.dma_semaphore, #tpu.memory_space<semaphore_mem>>
          %dma_start3A_284 = arith.constant 0 : i32
          %dma_start3A_285 = arith.constant 0 : i32
          %dma_start3A_286 = tpu.memref_slice %run_scoped3A_17[%rem3A_210, %dma_start3A_284, %dma_start3A_285] : memref<2x128x256xf32, #tpu.memory_space<vmem>> -> memref<1x128x256xf32, #tpu.memory_space<vmem>>
          %dma_start3A_287 = tpu.memref_squeeze %dma_start3A_286 : memref<1x128x256xf32, #tpu.memory_space<vmem>> -> memref<128x256xf32, #tpu.memory_space<vmem>>
          %dma_start3A_288 = arith.constant 0 : i32
          %dma_start3A_289 = arith.constant 0 : i32
          %dma_start3A_290 = tpu.memref_slice %run_scoped3A[%rem3A_208, %dma_start3A_288, %dma_start3A_289] : memref<2x1x128xi32, #tpu.memory_space<vmem>> -> memref<1x1x128xi32, #tpu.memory_space<vmem>>
          %dma_start3A_291 = tpu.memref_squeeze %dma_start3A_290 : memref<1x1x128xi32, #tpu.memory_space<vmem>> -> memref<1x128xi32, #tpu.memory_space<vmem>>
          %dma_start3A_292 = arith.constant 0 : i32
          %dma_start3A_293 = tpu.memref_slice %dma_start3A_291[%run_scoped3A_211, %dma_start3A_292] : memref<1x128xi32, #tpu.memory_space<vmem>> -> memref<1x128xi32, #tpu.memory_space<vmem>>
          %dma_start3A_294 = tpu.memref_squeeze %dma_start3A_293 : memref<1x128xi32, #tpu.memory_space<vmem>> -> memref<128xi32, #tpu.memory_space<vmem>>
          %dma_start3A_295 = arith.constant 0 : i32
          %dma_start3A_296 = arith.constant 0 : i32
          %dma_start3A_297 = tpu.memref_slice %arg3[%dma_start3A_295, %dma_start3A_296] : memref<1024x256xf32, #tpu.memory_space<hbm>> -> memref<1024x256xf32, #tpu.memory_space<hbm>>
          tpu.enqueue_indirect_dma source(%dma_start3A_297 : memref<1024x256xf32, #tpu.memory_space<hbm>>) target(%dma_start3A_287 : memref<128x256xf32, #tpu.memory_space<vmem>>) offsets(%dma_start3A_294 : memref<128xi32, #tpu.memory_space<vmem>>) semaphore(%run_scoped3A_283 : memref<!tpu.dma_semaphore, #tpu.memory_space<semaphore_mem>>)
          %dma_wait3A_298 = arith.constant 0 : i32
          %dma_wait3A_299 = arith.constant 0 : i32
          %dma_wait3A_300 = tpu.memref_slice %run_scoped3A_17[%rem3A_210, %dma_wait3A_298, %dma_wait3A_299] : memref<2x128x256xf32, #tpu.memory_space<vmem>> -> memref<1x128x256xf32, #tpu.memory_space<vmem>>
          %dma_wait3A_301 = tpu.memref_squeeze %dma_wait3A_300 : memref<1x128x256xf32, #tpu.memory_space<vmem>> -> memref<128x256xf32, #tpu.memory_space<vmem>>
          %dma_wait3A_302 = arith.constant 0 : i32
          %dma_wait3A_303 = arith.constant 0 : i32
          %dma_wait3A_304 = tpu.memref_slice %run_scoped3A[%rem3A_208, %dma_wait3A_302, %dma_wait3A_303] : memref<2x1x128xi32, #tpu.memory_space<vmem>> -> memref<1x1x128xi32, #tpu.memory_space<vmem>>
          %dma_wait3A_305 = tpu.memref_squeeze %dma_wait3A_304 : memref<1x1x128xi32, #tpu.memory_space<vmem>> -> memref<1x128xi32, #tpu.memory_space<vmem>>
          %dma_wait3A_306 = arith.constant 0 : i32
          %dma_wait3A_307 = tpu.memref_slice %dma_wait3A_305[%run_scoped3A_211, %dma_wait3A_306] : memref<1x128xi32, #tpu.memory_space<vmem>> -> memref<1x128xi32, #tpu.memory_space<vmem>>
          %dma_wait3A_308 = tpu.memref_squeeze %dma_wait3A_307 : memref<1x128xi32, #tpu.memory_space<vmem>> -> memref<128xi32, #tpu.memory_space<vmem>>
          %dma_wait3A_309 = arith.constant 0 : i32
          %dma_wait3A_310 = arith.constant 0 : i32
          %dma_wait3A_311 = tpu.memref_slice %arg3[%dma_wait3A_309, %dma_wait3A_310] : memref<1024x256xf32, #tpu.memory_space<hbm>> -> memref<1024x256xf32, #tpu.memory_space<hbm>>
          tpu.wait_indirect_dma semaphore(%run_scoped3A_283 : memref<!tpu.dma_semaphore, #tpu.memory_space<semaphore_mem>>) src(%dma_wait3A_311 : memref<1024x256xf32, #tpu.memory_space<hbm>>) dst(%dma_wait3A_301 : memref<128x256xf32, #tpu.memory_space<vmem>>)
          tpu.yield
        }) : () -> ()
        "tpu.trace_stop"() : () -> ()
        %ne3A_212 = arith.cmpi ne, %add3A_140, %add3A_158 : i32
        %or3A_213 = arith.constant false
        %or3A_214 = arith.ori %or3A_213, %ne3A_212 : i1
        %or3A_215 = arith.constant false
        %or3A_216 = arith.ori %or3A_214, %or3A_215 : i1
        %or3A_217 = arith.ori %or3A_216, %eq3A_139 : i1
        %convert_element_type3A_218 = arith.extui %or3A_217 : i1 to i32
        %cond3A_219 = arith.constant 0 : i32
        %cond3A_220 = arith.cmpi ne, %convert_element_type3A_218, %cond3A_219 : i32
        scf.if %cond3A_220 {
        } else {
        }
        %and3A_221 = arith.constant false
        %and3A_222 = arith.andi %or3A_217, %and3A_221 : i1
        %ne3A_223 = arith.cmpi ne, %add3A_140, %add3A_158 : i32
        %or3A_224 = arith.constant false
        %or3A_225 = arith.ori %or3A_224, %ne3A_223 : i1
        %or3A_226 = arith.constant false
        %or3A_227 = arith.ori %or3A_225, %or3A_226 : i1
        %or3A_228 = arith.ori %or3A_227, %eq3A_139 : i1
        %convert_element_type3A_229 = arith.extui %or3A_228 : i1 to i32
        %cond3A_230 = arith.constant 0 : i32
        %cond3A_231 = arith.cmpi ne, %convert_element_type3A_229, %cond3A_230 : i32
        scf.if %cond3A_231 {
          "tpu.trace_start"() <{level = 10 : i32, message = "ep_copy_out"}> : () -> ()
          %rem3A_283 = arith.constant 2 : i32
          %rem3A_284 = arith.remui %scan3A_133, %rem3A_283 : i32
          %mul3A_285 = arith.constant 128 : i32
          %mul3A_286 = arith.muli %mul3A_285, %add3A_140 : i32
          %dma_start3A_287 = arith.constant 0 : i32
          %dma_start3A_288 = arith.constant 0 : i32
          %dma_start3A_289 = tpu.memref_slice %run_scoped3A_17[%rem3A_284, %dma_start3A_287, %dma_start3A_288] : memref<2x128x256xf32, #tpu.memory_space<vmem>> -> memref<1x128x256xf32, #tpu.memory_space<vmem>>
          %dma_start3A_290 = tpu.memref_squeeze %dma_start3A_289 : memref<1x128x256xf32, #tpu.memory_space<vmem>> -> memref<128x256xf32, #tpu.memory_space<vmem>>
          %dma_start3A_291 = arith.constant 256 : i32
          %dma_start3A_292 = tpu.memref_slice %arg6[%mul3A_286, %dma_start3A_291] : memref<8192x512xf32, #tpu.memory_space<hbm>> -> memref<128x256xf32, #tpu.memory_space<hbm>>
          %dma_start3A_293 = tpu.memref_slice %run_scoped3A_18[%rem3A_284] : memref<2x!tpu.dma_semaphore, #tpu.memory_space<semaphore_mem>> -> memref<1x!tpu.dma_semaphore, #tpu.memory_space<semaphore_mem>>
          %dma_start3A_294 = tpu.memref_squeeze %dma_start3A_293 : memref<1x!tpu.dma_semaphore, #tpu.memory_space<semaphore_mem>> -> memref<!tpu.dma_semaphore, #tpu.memory_space<semaphore_mem>>
          %dma_start3A_295 = arith.constant 256 : i32
          %dma_start3A_296 = tpu.memref_slice %arg6[%mul3A_286, %dma_start3A_295] : memref<8192x512xf32, #tpu.memory_space<hbm>> -> memref<128x256xf32, #tpu.memory_space<hbm>>
          %dma_start3A_297 = arith.constant 0 : i32
          %dma_start3A_298 = arith.constant 0 : i32
          %dma_start3A_299 = tpu.memref_slice %run_scoped3A_17[%rem3A_284, %dma_start3A_297, %dma_start3A_298] : memref<2x128x256xf32, #tpu.memory_space<vmem>> -> memref<1x128x256xf32, #tpu.memory_space<vmem>>
          %dma_start3A_300 = tpu.memref_squeeze %dma_start3A_299 : memref<1x128x256xf32, #tpu.memory_space<vmem>> -> memref<128x256xf32, #tpu.memory_space<vmem>>
          tpu.enqueue_dma source(%dma_start3A_300 : memref<128x256xf32, #tpu.memory_space<vmem>>) target(%dma_start3A_296 : memref<128x256xf32, #tpu.memory_space<hbm>>) target_semaphore(%dma_start3A_294 : memref<!tpu.dma_semaphore, #tpu.memory_space<semaphore_mem>>)
          "tpu.trace_stop"() : () -> ()
        } else {
        }
        %and3A_232 = arith.constant true
        %and3A_233 = arith.andi %or3A_228, %and3A_232 : i1
        %add3A_234 = arith.constant 1 : i32
        %add3A_235 = arith.addi %scan3A_133, %add3A_234 : i32
        %select_n3A_236 = arith.select %and3A_233, %add3A_235, %scan3A_133 : i32
        %ne3A_237 = arith.cmpi ne, %add3A_140, %add3A_149 : i32
        %or3A_238 = arith.constant false
        %or3A_239 = arith.ori %or3A_238, %ne3A_237 : i1
        %or3A_240 = arith.constant false
        %or3A_241 = arith.ori %or3A_239, %or3A_240 : i1
        %not3A_242 = arith.constant true
        %not3A_243 = arith.xori %eq3A_137, %not3A_242 : i1
        %and3A_244 = arith.andi %or3A_241, %not3A_243 : i1
        %convert_element_type3A_245 = arith.extui %and3A_244 : i1 to i32
        %cond3A_246 = arith.constant 0 : i32
        %cond3A_247 = arith.cmpi ne, %convert_element_type3A_245, %cond3A_246 : i32
        scf.if %cond3A_247 {
        } else {
        }
        %and3A_248 = arith.constant false
        %and3A_249 = arith.andi %and3A_244, %and3A_248 : i1
        %ne3A_250 = arith.cmpi ne, %add3A_140, %add3A_149 : i32
        %or3A_251 = arith.constant false
        %or3A_252 = arith.ori %or3A_251, %ne3A_250 : i1
        %or3A_253 = arith.constant false
        %or3A_254 = arith.ori %or3A_252, %or3A_253 : i1
        %not3A_255 = arith.constant true
        %not3A_256 = arith.xori %eq3A_137, %not3A_255 : i1
        %and3A_257 = arith.andi %or3A_254, %not3A_256 : i1
        %convert_element_type3A_258 = arith.extui %and3A_257 : i1 to i32
        %cond3A_259 = arith.constant 0 : i32
        %cond3A_260 = arith.cmpi ne, %convert_element_type3A_258, %cond3A_259 : i32
        scf.if %cond3A_260 {
          "tpu.trace_start"() <{level = 10 : i32, message = "ep_wait_out"}> : () -> ()
          %rem3A_283 = arith.constant 2 : i32
          %rem3A_284 = arith.remui %scan3A_134, %rem3A_283 : i32
          %mul3A_285 = arith.constant 128 : i32
          %mul3A_286 = arith.muli %mul3A_285, %add3A_149 : i32
          %dma_wait3A_287 = arith.constant 0 : i32
          %dma_wait3A_288 = arith.constant 0 : i32
          %dma_wait3A_289 = tpu.memref_slice %run_scoped3A_17[%rem3A_284, %dma_wait3A_287, %dma_wait3A_288] : memref<2x128x256xf32, #tpu.memory_space<vmem>> -> memref<1x128x256xf32, #tpu.memory_space<vmem>>
          %dma_wait3A_290 = tpu.memref_squeeze %dma_wait3A_289 : memref<1x128x256xf32, #tpu.memory_space<vmem>> -> memref<128x256xf32, #tpu.memory_space<vmem>>
          %dma_wait3A_291 = arith.constant 256 : i32
          %dma_wait3A_292 = tpu.memref_slice %arg6[%mul3A_286, %dma_wait3A_291] : memref<8192x512xf32, #tpu.memory_space<hbm>> -> memref<128x256xf32, #tpu.memory_space<hbm>>
          %dma_wait3A_293 = tpu.memref_slice %run_scoped3A_18[%rem3A_284] : memref<2x!tpu.dma_semaphore, #tpu.memory_space<semaphore_mem>> -> memref<1x!tpu.dma_semaphore, #tpu.memory_space<semaphore_mem>>
          %dma_wait3A_294 = tpu.memref_squeeze %dma_wait3A_293 : memref<1x!tpu.dma_semaphore, #tpu.memory_space<semaphore_mem>> -> memref<!tpu.dma_semaphore, #tpu.memory_space<semaphore_mem>>
          %dma_wait3A_295 = arith.constant 256 : i32
          %dma_wait3A_296 = tpu.memref_slice %arg6[%mul3A_286, %dma_wait3A_295] : memref<8192x512xf32, #tpu.memory_space<hbm>> -> memref<128x256xf32, #tpu.memory_space<hbm>>
          %dma_wait3A_297 = arith.constant 0 : i32
          %dma_wait3A_298 = arith.constant 0 : i32
          %dma_wait3A_299 = tpu.memref_slice %run_scoped3A_17[%rem3A_284, %dma_wait3A_297, %dma_wait3A_298] : memref<2x128x256xf32, #tpu.memory_space<vmem>> -> memref<1x128x256xf32, #tpu.memory_space<vmem>>
          %dma_wait3A_300 = tpu.memref_squeeze %dma_wait3A_299 : memref<1x128x256xf32, #tpu.memory_space<vmem>> -> memref<128x256xf32, #tpu.memory_space<vmem>>
          tpu.wait_dma2 semaphore(%dma_wait3A_294 : memref<!tpu.dma_semaphore, #tpu.memory_space<semaphore_mem>>) src(%dma_wait3A_300 : memref<128x256xf32, #tpu.memory_space<vmem>>) dst(%dma_wait3A_296 : memref<128x256xf32, #tpu.memory_space<hbm>>)
          "tpu.trace_stop"() : () -> ()
        } else {
        }
        %and3A_261 = arith.constant true
        %and3A_262 = arith.andi %and3A_257, %and3A_261 : i1
        %add3A_263 = arith.constant 1 : i32
        %add3A_264 = arith.addi %scan3A_134, %add3A_263 : i32
        %select_n3A_265 = arith.select %and3A_262, %add3A_264, %scan3A_134 : i32
        %ne3A_266 = arith.cmpi ne, %add3A_140, %add3A_158 : i32
        %or3A_267 = arith.constant false
        %or3A_268 = arith.ori %or3A_267, %ne3A_266 : i1
        %or3A_269 = arith.constant false
        %or3A_270 = arith.ori %or3A_268, %or3A_269 : i1
        %or3A_271 = arith.ori %or3A_270, %eq3A_139 : i1
        %add3A_272 = arith.constant 1 : i32
        %add3A_273 = arith.addi %scan3A_132, %add3A_272 : i32
        %select_n3A_274 = arith.select %or3A_271, %add3A_273, %scan3A_132 : i32
        %add3A_275 = arith.constant 1 : i32
        %add3A_276 = arith.addi %scan3A_135, %add3A_275 : i32
        %select_n3A_277 = arith.constant true
        %select_n3A_278 = arith.select %select_n3A_277, %add3A_276, %scan3A_135 : i32
        %eq3A_279 = arith.constant 2 : i32
        %eq3A_280 = arith.cmpi eq, %select_n3A_278, %eq3A_279 : i32
        %select_n3A_281 = arith.constant 0 : i32
        %select_n3A_282 = arith.select %eq3A_280, %select_n3A_281, %select_n3A_278 : i32
        scf.yield %select_n3A_178, %select_n3A_274, %select_n3A_236, %select_n3A_265, %select_n3A_282 : i32, i32, i32, i32, i32
      }
      %scan3A_77 = arith.constant 2 : i32
      %sub3A = arith.constant 1 : i32
      %sub3A_78 = arith.subi %scan3A_76#4, %sub3A : i32
      %select_n3A_79 = arith.constant true
      %select_n3A_80 = arith.select %select_n3A_79, %sub3A_78, %scan3A_76#4 : i32
      %eq3A_81 = arith.constant -1 : i32
      %eq3A_82 = arith.cmpi eq, %select_n3A_80, %eq3A_81 : i32
      %select_n3A_83 = arith.constant 1 : i32
      %select_n3A_84 = arith.select %eq3A_82, %select_n3A_83, %select_n3A_80 : i32
      %add3A_85 = arith.addi %select_n3A_84, %mul3A_15 : i32
      %sub3A_86 = arith.constant 1 : i32
      %sub3A_87 = arith.subi %select_n3A_84, %sub3A_86 : i32
      %select_n3A_88 = arith.constant true
      %select_n3A_89 = arith.select %select_n3A_88, %sub3A_87, %select_n3A_84 : i32
      %eq3A_90 = arith.constant -1 : i32
      %eq3A_91 = arith.cmpi eq, %select_n3A_89, %eq3A_90 : i32
      %select_n3A_92 = arith.constant 1 : i32
      %select_n3A_93 = arith.select %eq3A_91, %select_n3A_92, %select_n3A_89 : i32
      %add3A_94 = arith.addi %select_n3A_93, %mul3A_15 : i32
      %add3A_95 = arith.constant 1 : i32
      %add3A_96 = arith.addi %select_n3A_84, %add3A_95 : i32
      %select_n3A_97 = arith.constant true
      %select_n3A_98 = arith.select %select_n3A_97, %add3A_96, %select_n3A_84 : i32
      %eq3A_99 = arith.constant 2 : i32
      %eq3A_100 = arith.cmpi eq, %select_n3A_98, %eq3A_99 : i32
      %select_n3A_101 = arith.constant 0 : i32
      %select_n3A_102 = arith.select %eq3A_100, %select_n3A_101, %select_n3A_98 : i32
      %add3A_103 = arith.addi %select_n3A_102, %mul3A_15 : i32
      %add3A_104 = arith.constant 1 : i32
      %add3A_105 = arith.addi %select_n3A_102, %add3A_104 : i32
      %select_n3A_106 = arith.constant true
      %select_n3A_107 = arith.select %select_n3A_106, %add3A_105, %select_n3A_102 : i32
      %eq3A_108 = arith.constant 2 : i32
      %eq3A_109 = arith.cmpi eq, %select_n3A_107, %eq3A_108 : i32
      %select_n3A_110 = arith.constant 0 : i32
      %select_n3A_111 = arith.select %eq3A_109, %select_n3A_110, %select_n3A_107 : i32
      %add3A_112 = arith.addi %select_n3A_111, %mul3A_15 : i32
      "tpu.trace_start"() <{level = 10 : i32, message = "ep_finalize"}> : () -> ()
      %rem3A_113 = arith.constant 2 : i32
      %rem3A_114 = arith.remui %scan3A_76#3, %rem3A_113 : i32
      %mul3A_115 = arith.constant 128 : i32
      %mul3A_116 = arith.muli %mul3A_115, %add3A_85 : i32
      %dma_wait3A = arith.constant 0 : i32
      %dma_wait3A_117 = arith.constant 0 : i32
      %dma_wait3A_118 = tpu.memref_slice %run_scoped3A_17[%rem3A_114, %dma_wait3A, %dma_wait3A_117] : memref<2x128x256xf32, #tpu.memory_space<vmem>> -> memref<1x128x256xf32, #tpu.memory_space<vmem>>
      %dma_wait3A_119 = tpu.memref_squeeze %dma_wait3A_118 : memref<1x128x256xf32, #tpu.memory_space<vmem>> -> memref<128x256xf32, #tpu.memory_space<vmem>>
      %dma_wait3A_120 = arith.constant 256 : i32
      %dma_wait3A_121 = tpu.memref_slice %arg6[%mul3A_116, %dma_wait3A_120] : memref<8192x512xf32, #tpu.memory_space<hbm>> -> memref<128x256xf32, #tpu.memory_space<hbm>>
      %dma_wait3A_122 = tpu.memref_slice %run_scoped3A_18[%rem3A_114] : memref<2x!tpu.dma_semaphore, #tpu.memory_space<semaphore_mem>> -> memref<1x!tpu.dma_semaphore, #tpu.memory_space<semaphore_mem>>
      %dma_wait3A_123 = tpu.memref_squeeze %dma_wait3A_122 : memref<1x!tpu.dma_semaphore, #tpu.memory_space<semaphore_mem>> -> memref<!tpu.dma_semaphore, #tpu.memory_space<semaphore_mem>>
      %dma_wait3A_124 = arith.constant 256 : i32
      %dma_wait3A_125 = tpu.memref_slice %arg6[%mul3A_116, %dma_wait3A_124] : memref<8192x512xf32, #tpu.memory_space<hbm>> -> memref<128x256xf32, #tpu.memory_space<hbm>>
      %dma_wait3A_126 = arith.constant 0 : i32
      %dma_wait3A_127 = arith.constant 0 : i32
      %dma_wait3A_128 = tpu.memref_slice %run_scoped3A_17[%rem3A_114, %dma_wait3A_126, %dma_wait3A_127] : memref<2x128x256xf32, #tpu.memory_space<vmem>> -> memref<1x128x256xf32, #tpu.memory_space<vmem>>
      %dma_wait3A_129 = tpu.memref_squeeze %dma_wait3A_128 : memref<1x128x256xf32, #tpu.memory_space<vmem>> -> memref<128x256xf32, #tpu.memory_space<vmem>>
      tpu.wait_dma2 semaphore(%dma_wait3A_123 : memref<!tpu.dma_semaphore, #tpu.memory_space<semaphore_mem>>) src(%dma_wait3A_129 : memref<128x256xf32, #tpu.memory_space<vmem>>) dst(%dma_wait3A_125 : memref<128x256xf32, #tpu.memory_space<hbm>>)
      "tpu.trace_stop"() : () -> ()
      tpu.yield
    }) : () -> ()
    return
  }
}

module attributes {stable_mosaic.version = 14 : i64} {
  func.func @_body_a(%arg0: i32, %arg1: memref<1024x256xf32, #tpu.memory_space<vmem>>, %arg2: memref<4x256x512xf32, #tpu.memory_space<vmem>>, %arg3: memref<1x4xf32, #tpu.memory_space<vmem>>, %arg4: memref<1x1024xf32, #tpu.memory_space<vmem>>, %arg5: memref<1x1024xf32, #tpu.memory_space<vmem>>, %arg6: memref<256x1024xf32, #tpu.memory_space<vmem>>, %arg7: memref<256x1024xf32, #tpu.memory_space<vmem>>, %arg8: memref<1024x2xi32, #tpu.memory_space<vmem>>, %arg9: memref<1024x512xf32, #tpu.memory_space<vmem>>) attributes {dimension_semantics = [#tpu.dimension_semantics<arbitrary>], iteration_bounds = array<i64: 8>, scalar_prefetch = 0 : i64, scratch_operands = 0 : i64, tpu.core_type = #tpu.core_type<tc>, window_params = [{transform_indices = @transform_0, window_bounds = array<i64: 1024, 256>}, {pipeline_mode = #tpu.pipeline_mode<synchronous>, transform_indices = @transform_1, window_bounds = array<i64: 4, 256, 512>}, {pipeline_mode = #tpu.pipeline_mode<synchronous>, transform_indices = @transform_2, window_bounds = array<i64: 1, 4>}, {pipeline_mode = #tpu.pipeline_mode<synchronous>, transform_indices = @transform_3, window_bounds = array<i64: 1, 1024>}, {pipeline_mode = #tpu.pipeline_mode<synchronous>, transform_indices = @transform_4, window_bounds = array<i64: 1, 1024>}, {pipeline_mode = #tpu.pipeline_mode<synchronous>, transform_indices = @transform_5, window_bounds = array<i64: 256, 1024>}, {pipeline_mode = #tpu.pipeline_mode<synchronous>, transform_indices = @transform_6, window_bounds = array<i64: 256, 1024>}, {transform_indices = @transform_7, window_bounds = array<i64: 1024, 2>}, {transform_indices = @transform_8, window_bounds = array<i64: 1024, 512>}]} {
    %get3A = arith.constant 0 : index
    %get3A_0 = arith.constant 0 : index
    %get3A_1 = vector.load %arg1[%get3A, %get3A_0] : memref<1024x256xf32, #tpu.memory_space<vmem>>, vector<1024x256xf32>
    %jit3A = arith.constant 0 : i32
    %convert_element_type3A = arith.sitofp %jit3A : i32 to f32
    %pad3A = vector.broadcast %convert_element_type3A : f32 to vector<1024x128xf32>
    %pad3A_2 = tpu.concatenate %pad3A, %get3A_1 in 1 : vector<1024x128xf32>, vector<1024x256xf32> -> vector<1024x384xf32>
    %pad3A_3 = vector.broadcast %convert_element_type3A : f32 to vector<1024x128xf32>
    %pad3A_4 = tpu.concatenate %pad3A_2, %pad3A_3 in 1 : vector<1024x384xf32>, vector<1024x128xf32> -> vector<1024x512xf32>
    %get3A_5 = arith.constant 0 : index
    %get3A_6 = arith.constant 0 : index
    %get3A_7 = arith.constant 0 : index
    %get3A_8 = vector.load %arg2[%get3A_5, %get3A_6, %get3A_7] : memref<4x256x512xf32, #tpu.memory_space<vmem>>, vector<1x256x512xf32>
    %get3A_9 = vector.shape_cast %get3A_8 : vector<1x256x512xf32> to vector<256x512xf32>
    %dot_general3A = arith.constant dense<0.000000e+00> : vector<1024x256xf32>
    %dot_general3A_10 = tpu.matmul %pad3A_4, %get3A_9, %dot_general3A {dimension_numbers = #tpu.dot_dimension_numbers<[1], [1], [0], [0], [0, 0, 1, 0], [], []>, transpose_lhs_hint = false} : vector<1024x512xf32>, vector<256x512xf32>, vector<1024x256xf32> -> vector<1024x256xf32>
    %get3A_11 = arith.constant 0 : index
    %get3A_12 = arith.constant 0 : index
    %get3A_13 = vector.load %arg3[%get3A_11, %get3A_12] : memref<1x4xf32, #tpu.memory_space<vmem>>, vector<1x1xf32>
    %get3A_14 = vector.extract %get3A_13[0, 0] : f32 from vector<1x1xf32>
    %add3A = vector.broadcast %get3A_14 : f32 to vector<1024x256xf32>
    %add3A_15 = arith.addf %dot_general3A_10, %add3A : vector<1024x256xf32>
    %max3A = arith.constant 0.000000e+00 : f32
    %max3A_16 = vector.broadcast %max3A : f32 to vector<1024x256xf32>
    %max3A_17 = arith.maximumf %add3A_15, %max3A_16 : vector<1024x256xf32>
    %get3A_18 = arith.constant 1 : index
    %get3A_19 = arith.constant 0 : index
    %get3A_20 = arith.constant 0 : index
    %get3A_21 = vector.load %arg2[%get3A_18, %get3A_19, %get3A_20] : memref<4x256x512xf32, #tpu.memory_space<vmem>>, vector<1x256x512xf32>
    %get3A_22 = vector.shape_cast %get3A_21 : vector<1x256x512xf32> to vector<256x512xf32>
    %dot_general3A_23 = arith.constant dense<0.000000e+00> : vector<1024x256xf32>
    %dot_general3A_24 = tpu.matmul %pad3A_4, %get3A_22, %dot_general3A_23 {dimension_numbers = #tpu.dot_dimension_numbers<[1], [1], [0], [0], [0, 0, 1, 0], [], []>, transpose_lhs_hint = false} : vector<1024x512xf32>, vector<256x512xf32>, vector<1024x256xf32> -> vector<1024x256xf32>
    %get3A_25 = arith.constant 2 : index
    %get3A_26 = arith.constant 0 : index
    %get3A_27 = arith.constant 0 : index
    %get3A_28 = vector.load %arg2[%get3A_25, %get3A_26, %get3A_27] : memref<4x256x512xf32, #tpu.memory_space<vmem>>, vector<1x256x512xf32>
    %get3A_29 = vector.shape_cast %get3A_28 : vector<1x256x512xf32> to vector<256x512xf32>
    %dot_general3A_30 = arith.constant dense<0.000000e+00> : vector<1024x256xf32>
    %dot_general3A_31 = tpu.matmul %pad3A_4, %get3A_29, %dot_general3A_30 {dimension_numbers = #tpu.dot_dimension_numbers<[1], [1], [0], [0], [0, 0, 1, 0], [], []>, transpose_lhs_hint = false} : vector<1024x512xf32>, vector<256x512xf32>, vector<1024x256xf32> -> vector<1024x256xf32>
    %get3A_32 = arith.constant 3 : index
    %get3A_33 = arith.constant 0 : index
    %get3A_34 = arith.constant 0 : index
    %get3A_35 = vector.load %arg2[%get3A_32, %get3A_33, %get3A_34] : memref<4x256x512xf32, #tpu.memory_space<vmem>>, vector<1x256x512xf32>
    %get3A_36 = vector.shape_cast %get3A_35 : vector<1x256x512xf32> to vector<256x512xf32>
    %dot_general3A_37 = arith.constant dense<0.000000e+00> : vector<1024x256xf32>
    %dot_general3A_38 = tpu.matmul %pad3A_4, %get3A_36, %dot_general3A_37 {dimension_numbers = #tpu.dot_dimension_numbers<[1], [1], [0], [0], [0, 0, 1, 0], [], []>, transpose_lhs_hint = false} : vector<1024x512xf32>, vector<256x512xf32>, vector<1024x256xf32> -> vector<1024x256xf32>
    %broadcast_in_dim3A = arith.constant 0.000000e+00 : f32
    %broadcast_in_dim3A_39 = vector.broadcast %broadcast_in_dim3A : f32 to vector<1x256xf32>
    %slice3A = vector.extract_strided_slice %dot_general3A_24 {offsets = [0, 0], sizes = [1023, 256], strides = [1, 1]} : vector<1024x256xf32> to vector<1023x256xf32>
    %concatenate3A = tpu.concatenate %broadcast_in_dim3A_39, %slice3A in 0 : vector<1x256xf32>, vector<1023x256xf32> -> vector<1024x256xf32>
    %slice3A_40 = vector.extract_strided_slice %dot_general3A_38 {offsets = [1, 0], sizes = [1023, 256], strides = [1, 1]} : vector<1024x256xf32> to vector<1023x256xf32>
    %concatenate3A_41 = tpu.concatenate %slice3A_40, %broadcast_in_dim3A_39 in 0 : vector<1023x256xf32>, vector<1x256xf32> -> vector<1024x256xf32>
    %add3A_42 = arith.addf %concatenate3A, %dot_general3A_31 : vector<1024x256xf32>
    %add3A_43 = arith.addf %add3A_42, %concatenate3A_41 : vector<1024x256xf32>
    %get3A_44 = arith.constant 0 : index
    %get3A_45 = arith.constant 1 : index
    %get3A_46 = vector.load %arg3[%get3A_44, %get3A_45] : memref<1x4xf32, #tpu.memory_space<vmem>>, vector<1x1xf32>
    %get3A_47 = vector.extract %get3A_46[0, 0] : f32 from vector<1x1xf32>
    %add3A_48 = vector.broadcast %get3A_47 : f32 to vector<1024x256xf32>
    %add3A_49 = arith.addf %add3A_43, %add3A_48 : vector<1024x256xf32>
    %max3A_50 = arith.constant 0.000000e+00 : f32
    %max3A_51 = vector.broadcast %max3A_50 : f32 to vector<1024x256xf32>
    %max3A_52 = arith.maximumf %add3A_49, %max3A_51 : vector<1024x256xf32>
    %swap3A = arith.constant 0 : index
    %swap3A_53 = arith.constant 0 : index
    %swap3A_54 = vector.load %arg9[%swap3A, %swap3A_53] : memref<1024x512xf32, #tpu.memory_space<vmem>>, vector<1024x256xf32>
    tpu.vector_store %arg9[%swap3A, %swap3A_53], %max3A_17 {strides = array<i32>} : memref<1024x512xf32, #tpu.memory_space<vmem>>, vector<1024x256xf32>,
    %swap3A_55 = arith.constant 0 : index
    %swap3A_56 = arith.constant 256 : index
    %swap3A_57 = vector.load %arg9[%swap3A_55, %swap3A_56] : memref<1024x512xf32, #tpu.memory_space<vmem>>, vector<1024x256xf32>
    tpu.vector_store %arg9[%swap3A_55, %swap3A_56], %max3A_52 {strides = array<i32>} : memref<1024x512xf32, #tpu.memory_space<vmem>>, vector<1024x256xf32>,
    %mul3A = arith.mulf %max3A_17, %max3A_17 : vector<1024x256xf32>
    %reduce_sum3A = arith.constant dense<0.000000e+00> : vector<1024xf32>
    %reduce_sum3A_58 = vector.multi_reduction <add>, %mul3A, %reduce_sum3A [1] : vector<1024x256xf32> to vector<1024xf32>
    %broadcast_in_dim3A_59 = vector.shape_cast %reduce_sum3A_58 : vector<1024xf32> to vector<1024x1xf32>
    %get3A_60 = arith.constant 0 : index
    %get3A_61 = arith.constant 0 : index
    %get3A_62 = vector.load %arg6[%get3A_60, %get3A_61] : memref<256x1024xf32, #tpu.memory_space<vmem>>, vector<256x1024xf32>
    %dot_general3A_63 = arith.constant dense<0.000000e+00> : vector<1024x1024xf32>
    %dot_general3A_64 = tpu.matmul %max3A_17, %get3A_62, %dot_general3A_63 {dimension_numbers = #tpu.dot_dimension_numbers<[1], [0], [0], [1], [0, 0, 1, 1], [], []>, transpose_lhs_hint = false} : vector<1024x256xf32>, vector<256x1024xf32>, vector<1024x1024xf32> -> vector<1024x1024xf32>
    %mul3A_65 = arith.constant 2.000000e+00 : f32
    %mul3A_66 = vector.broadcast %mul3A_65 : f32 to vector<1024x1024xf32>
    %mul3A_67 = arith.mulf %mul3A_66, %dot_general3A_64 : vector<1024x1024xf32>
    %sub3A = vector.broadcast %broadcast_in_dim3A_59 : vector<1024x1xf32> to vector<1024x1024xf32>
    %sub3A_68 = arith.subf %sub3A, %mul3A_67 : vector<1024x1024xf32>
    %get3A_69 = arith.constant 0 : index
    %get3A_70 = arith.constant 0 : index
    %get3A_71 = vector.load %arg4[%get3A_69, %get3A_70] : memref<1x1024xf32, #tpu.memory_space<vmem>>, vector<1x1024xf32>
    %add3A_72 = vector.broadcast %get3A_71 : vector<1x1024xf32> to vector<1024x1024xf32>
    %add3A_73 = arith.addf %sub3A_68, %add3A_72 : vector<1024x1024xf32>
    %argmin3A = tpu.reduce_index %add3A_73 {axis = 1 : i32, kind = #tpu.reduction_kind<arg_min>} : vector<1024x1024xf32> -> vector<1024xi32>
    %broadcast_in_dim3A_74 = vector.shape_cast %argmin3A : vector<1024xi32> to vector<1024x1xi32>
    %swap3A_75 = arith.constant 0 : index
    %swap3A_76 = arith.constant 0 : index
    %swap3A_77 = vector.load %arg8[%swap3A_75, %swap3A_76] : memref<1024x2xi32, #tpu.memory_space<vmem>>, vector<1024x1xi32>
    tpu.vector_store %arg8[%swap3A_75, %swap3A_76], %broadcast_in_dim3A_74 {strides = array<i32>} : memref<1024x2xi32, #tpu.memory_space<vmem>>, vector<1024x1xi32>,
    %mul3A_78 = arith.mulf %max3A_52, %max3A_52 : vector<1024x256xf32>
    %reduce_sum3A_79 = arith.constant dense<0.000000e+00> : vector<1024xf32>
    %reduce_sum3A_80 = vector.multi_reduction <add>, %mul3A_78, %reduce_sum3A_79 [1] : vector<1024x256xf32> to vector<1024xf32>
    %broadcast_in_dim3A_81 = vector.shape_cast %reduce_sum3A_80 : vector<1024xf32> to vector<1024x1xf32>
    %get3A_82 = arith.constant 0 : index
    %get3A_83 = arith.constant 0 : index
    %get3A_84 = vector.load %arg7[%get3A_82, %get3A_83] : memref<256x1024xf32, #tpu.memory_space<vmem>>, vector<256x1024xf32>
    %dot_general3A_85 = arith.constant dense<0.000000e+00> : vector<1024x1024xf32>
    %dot_general3A_86 = tpu.matmul %max3A_52, %get3A_84, %dot_general3A_85 {dimension_numbers = #tpu.dot_dimension_numbers<[1], [0], [0], [1], [0, 0, 1, 1], [], []>, transpose_lhs_hint = false} : vector<1024x256xf32>, vector<256x1024xf32>, vector<1024x1024xf32> -> vector<1024x1024xf32>
    %mul3A_87 = arith.constant 2.000000e+00 : f32
    %mul3A_88 = vector.broadcast %mul3A_87 : f32 to vector<1024x1024xf32>
    %mul3A_89 = arith.mulf %mul3A_88, %dot_general3A_86 : vector<1024x1024xf32>
    %sub3A_90 = vector.broadcast %broadcast_in_dim3A_81 : vector<1024x1xf32> to vector<1024x1024xf32>
    %sub3A_91 = arith.subf %sub3A_90, %mul3A_89 : vector<1024x1024xf32>
    %get3A_92 = arith.constant 0 : index
    %get3A_93 = arith.constant 0 : index
    %get3A_94 = vector.load %arg5[%get3A_92, %get3A_93] : memref<1x1024xf32, #tpu.memory_space<vmem>>, vector<1x1024xf32>
    %add3A_95 = vector.broadcast %get3A_94 : vector<1x1024xf32> to vector<1024x1024xf32>
    %add3A_96 = arith.addf %sub3A_91, %add3A_95 : vector<1024x1024xf32>
    %argmin3A_97 = tpu.reduce_index %add3A_96 {axis = 1 : i32, kind = #tpu.reduction_kind<arg_min>} : vector<1024x1024xf32> -> vector<1024xi32>
    %broadcast_in_dim3A_98 = vector.shape_cast %argmin3A_97 : vector<1024xi32> to vector<1024x1xi32>
    %swap3A_99 = arith.constant 0 : index
    %swap3A_100 = arith.constant 1 : index
    %swap3A_101 = vector.load %arg8[%swap3A_99, %swap3A_100] : memref<1024x2xi32, #tpu.memory_space<vmem>>, vector<1024x1xi32>
    tpu.vector_store %arg8[%swap3A_99, %swap3A_100], %broadcast_in_dim3A_98 {strides = array<i32>} : memref<1024x2xi32, #tpu.memory_space<vmem>>, vector<1024x1xi32>,
    return
  }
  func.func @transform_0(%arg0: i32) -> (i32, i32) {
    %c0_i32 = arith.constant 0 : i32
    %c0_i32_0 = arith.constant 0 : i32
    return %arg0, %c0_i32 : i32, i32
  }
  func.func @transform_1(%arg0: i32) -> (i32, i32, i32) {
    %c0_i32 = arith.constant 0 : i32
    %c0_i32_0 = arith.constant 0 : i32
    %c0_i32_1 = arith.constant 0 : i32
    %c0_i32_2 = arith.constant 0 : i32
    return %c0_i32, %c0_i32_0, %c0_i32_1 : i32, i32, i32
  }
  func.func @transform_2(%arg0: i32) -> (i32, i32) {
    %c0_i32 = arith.constant 0 : i32
    %c0_i32_0 = arith.constant 0 : i32
    %c0_i32_1 = arith.constant 0 : i32
    return %c0_i32, %c0_i32_0 : i32, i32
  }
  func.func @transform_3(%arg0: i32) -> (i32, i32) {
    %c0_i32 = arith.constant 0 : i32
    %c0_i32_0 = arith.constant 0 : i32
    %c0_i32_1 = arith.constant 0 : i32
    return %c0_i32, %c0_i32_0 : i32, i32
  }
  func.func @transform_4(%arg0: i32) -> (i32, i32) {
    %c0_i32 = arith.constant 0 : i32
    %c0_i32_0 = arith.constant 0 : i32
    %c0_i32_1 = arith.constant 0 : i32
    return %c0_i32, %c0_i32_0 : i32, i32
  }
  func.func @transform_5(%arg0: i32) -> (i32, i32) {
    %c0_i32 = arith.constant 0 : i32
    %c0_i32_0 = arith.constant 0 : i32
    %c0_i32_1 = arith.constant 0 : i32
    return %c0_i32, %c0_i32_0 : i32, i32
  }
  func.func @transform_6(%arg0: i32) -> (i32, i32) {
    %c0_i32 = arith.constant 0 : i32
    %c0_i32_0 = arith.constant 0 : i32
    %c0_i32_1 = arith.constant 0 : i32
    return %c0_i32, %c0_i32_0 : i32, i32
  }
  func.func @transform_7(%arg0: i32) -> (i32, i32) {
    %c0_i32 = arith.constant 0 : i32
    %c0_i32_0 = arith.constant 0 : i32
    return %arg0, %c0_i32 : i32, i32
  }
  func.func @transform_8(%arg0: i32) -> (i32, i32) {
    %c0_i32 = arith.constant 0 : i32
    %c0_i32_0 = arith.constant 0 : i32
    return %arg0, %c0_i32 : i32, i32
  }
}

module attributes {stable_mosaic.version = 14 : i64} {
  func.func @_body_b(%arg0: i32, %arg1: memref<1024x512xf32, #tpu.memory_space<vmem>>, %arg2: memref<1024x512xf32, #tpu.memory_space<vmem>>, %arg3: memref<1x4xf32, #tpu.memory_space<vmem>>, %arg4: memref<1x256xf32, #tpu.memory_space<vmem>>, %arg5: memref<1x256xf32, #tpu.memory_space<vmem>>, %arg6: memref<1024x256xf32, #tpu.memory_space<vmem>>) attributes {dimension_semantics = [#tpu.dimension_semantics<arbitrary>], iteration_bounds = array<i64: 8>, scalar_prefetch = 0 : i64, scratch_operands = 0 : i64, tpu.core_type = #tpu.core_type<tc>, window_params = [{transform_indices = @transform_0, window_bounds = array<i64: 1024, 512>}, {transform_indices = @transform_1, window_bounds = array<i64: 1024, 512>}, {pipeline_mode = #tpu.pipeline_mode<synchronous>, transform_indices = @transform_2, window_bounds = array<i64: 1, 4>}, {pipeline_mode = #tpu.pipeline_mode<synchronous>, transform_indices = @transform_3, window_bounds = array<i64: 1, 256>}, {pipeline_mode = #tpu.pipeline_mode<synchronous>, transform_indices = @transform_4, window_bounds = array<i64: 1, 256>}, {transform_indices = @transform_5, window_bounds = array<i64: 1024, 256>}]} {
    %get3A = arith.constant 0 : index
    %get3A_0 = arith.constant 0 : index
    %get3A_1 = vector.load %arg1[%get3A, %get3A_0] : memref<1024x512xf32, #tpu.memory_space<vmem>>, vector<1024x256xf32>
    %get3A_2 = arith.constant 0 : index
    %get3A_3 = arith.constant 256 : index
    %get3A_4 = vector.load %arg1[%get3A_2, %get3A_3] : memref<1024x512xf32, #tpu.memory_space<vmem>>, vector<1024x256xf32>
    %get3A_5 = arith.constant 0 : index
    %get3A_6 = arith.constant 0 : index
    %get3A_7 = vector.load %arg2[%get3A_5, %get3A_6] : memref<1024x512xf32, #tpu.memory_space<vmem>>, vector<1024x256xf32>
    %get3A_8 = arith.constant 0 : index
    %get3A_9 = arith.constant 256 : index
    %get3A_10 = vector.load %arg2[%get3A_8, %get3A_9] : memref<1024x512xf32, #tpu.memory_space<vmem>>, vector<1024x256xf32>
    %sub3A = arith.subf %get3A_7, %get3A_1 : vector<1024x256xf32>
    %add3A = arith.addf %get3A_1, %sub3A : vector<1024x256xf32>
    %sub3A_11 = arith.subf %get3A_10, %get3A_4 : vector<1024x256xf32>
    %add3A_12 = arith.addf %get3A_4, %sub3A_11 : vector<1024x256xf32>
    %get3A_13 = arith.constant 0 : index
    %get3A_14 = arith.constant 0 : index
    %get3A_15 = vector.load %arg4[%get3A_13, %get3A_14] : memref<1x256xf32, #tpu.memory_space<vmem>>, vector<1x256xf32>
    %mul3A = vector.broadcast %get3A_15 : vector<1x256xf32> to vector<1024x256xf32>
    %mul3A_16 = arith.mulf %add3A, %mul3A : vector<1024x256xf32>
    %reduce_sum3A = arith.constant dense<0.000000e+00> : vector<1024xf32>
    %reduce_sum3A_17 = vector.multi_reduction <add>, %mul3A_16, %reduce_sum3A [1] : vector<1024x256xf32> to vector<1024xf32>
    %broadcast_in_dim3A = vector.shape_cast %reduce_sum3A_17 : vector<1024xf32> to vector<1024x1xf32>
    %get3A_18 = arith.constant 0 : index
    %get3A_19 = arith.constant 2 : index
    %get3A_20 = vector.load %arg3[%get3A_18, %get3A_19] : memref<1x4xf32, #tpu.memory_space<vmem>>, vector<1x1xf32>
    %get3A_21 = vector.extract %get3A_20[0, 0] : f32 from vector<1x1xf32>
    %add3A_22 = vector.broadcast %get3A_21 : f32 to vector<1024x1xf32>
    %add3A_23 = arith.addf %broadcast_in_dim3A, %add3A_22 : vector<1024x1xf32>
    %get3A_24 = arith.constant 0 : index
    %get3A_25 = arith.constant 0 : index
    %get3A_26 = vector.load %arg5[%get3A_24, %get3A_25] : memref<1x256xf32, #tpu.memory_space<vmem>>, vector<1x256xf32>
    %mul3A_27 = vector.broadcast %get3A_26 : vector<1x256xf32> to vector<1024x256xf32>
    %mul3A_28 = arith.mulf %add3A, %mul3A_27 : vector<1024x256xf32>
    %reduce_sum3A_29 = arith.constant dense<0.000000e+00> : vector<1024xf32>
    %reduce_sum3A_30 = vector.multi_reduction <add>, %mul3A_28, %reduce_sum3A_29 [1] : vector<1024x256xf32> to vector<1024xf32>
    %broadcast_in_dim3A_31 = vector.shape_cast %reduce_sum3A_30 : vector<1024xf32> to vector<1024x1xf32>
    %get3A_32 = arith.constant 0 : index
    %get3A_33 = arith.constant 3 : index
    %get3A_34 = vector.load %arg3[%get3A_32, %get3A_33] : memref<1x4xf32, #tpu.memory_space<vmem>>, vector<1x1xf32>
    %get3A_35 = vector.extract %get3A_34[0, 0] : f32 from vector<1x1xf32>
    %add3A_36 = vector.broadcast %get3A_35 : f32 to vector<1024x1xf32>
    %add3A_37 = arith.addf %broadcast_in_dim3A_31, %add3A_36 : vector<1024x1xf32>
    %max3A = arith.maximumf %add3A_23, %add3A_37 : vector<1024x1xf32>
    %sub3A_38 = arith.subf %add3A_23, %max3A : vector<1024x1xf32>
    %exp3A = math.exp %sub3A_38 : vector<1024x1xf32>
    %sub3A_39 = arith.subf %add3A_37, %max3A : vector<1024x1xf32>
    %exp3A_40 = math.exp %sub3A_39 : vector<1024x1xf32>
    %add3A_41 = arith.addf %exp3A, %exp3A_40 : vector<1024x1xf32>
    %div3A = arith.divf %exp3A, %add3A_41 : vector<1024x1xf32>
    %mul3A_42 = vector.broadcast %div3A : vector<1024x1xf32> to vector<1024x256xf32>
    %mul3A_43 = arith.mulf %add3A, %mul3A_42 : vector<1024x256xf32>
    %div3A_44 = arith.divf %exp3A_40, %add3A_41 : vector<1024x1xf32>
    %mul3A_45 = vector.broadcast %div3A_44 : vector<1024x1xf32> to vector<1024x256xf32>
    %mul3A_46 = arith.mulf %add3A_12, %mul3A_45 : vector<1024x256xf32>
    %add3A_47 = arith.addf %mul3A_43, %mul3A_46 : vector<1024x256xf32>
    %swap3A = arith.constant 0 : index
    %swap3A_48 = arith.constant 0 : index
    %swap3A_49 = vector.load %arg6[%swap3A, %swap3A_48] : memref<1024x256xf32, #tpu.memory_space<vmem>>, vector<1024x256xf32>
    tpu.vector_store %arg6[%swap3A, %swap3A_48], %add3A_47 {strides = array<i32>} : memref<1024x256xf32, #tpu.memory_space<vmem>>, vector<1024x256xf32>,
    return
  }
  func.func @transform_0(%arg0: i32) -> (i32, i32) {
    %c0_i32 = arith.constant 0 : i32
    %c0_i32_0 = arith.constant 0 : i32
    return %arg0, %c0_i32 : i32, i32
  }
  func.func @transform_1(%arg0: i32) -> (i32, i32) {
    %c0_i32 = arith.constant 0 : i32
    %c0_i32_0 = arith.constant 0 : i32
    return %arg0, %c0_i32 : i32, i32
  }
  func.func @transform_2(%arg0: i32) -> (i32, i32) {
    %c0_i32 = arith.constant 0 : i32
    %c0_i32_0 = arith.constant 0 : i32
    %c0_i32_1 = arith.constant 0 : i32
    return %c0_i32, %c0_i32_0 : i32, i32
  }
  func.func @transform_3(%arg0: i32) -> (i32, i32) {
    %c0_i32 = arith.constant 0 : i32
    %c0_i32_0 = arith.constant 0 : i32
    %c0_i32_1 = arith.constant 0 : i32
    return %c0_i32, %c0_i32_0 : i32, i32
  }
  func.func @transform_4(%arg0: i32) -> (i32, i32) {
    %c0_i32 = arith.constant 0 : i32
    %c0_i32_0 = arith.constant 0 : i32
    %c0_i32_1 = arith.constant 0 : i32
    return %c0_i32, %c0_i32_0 : i32, i32
  }
  func.func @transform_5(%arg0: i32) -> (i32, i32) {
    %c0_i32 = arith.constant 0 : i32
    %c0_i32_0 = arith.constant 0 : i32
    return %arg0, %c0_i32 : i32, i32
  }
}

</mosaic_0001>

<sc_bundles>
// kernel: kernel.5.cloned.1.call-start
scs
__scs_entry_jumppad:
0x0: {  	(pc) =	sbr.rel $0x88, $3  }
0x1: {  	(tag) =	ssettag $0x0;
	lr =	simm.s32 $0x1  }
0x2: {  	[smem:$0x3F96] =	sst lr;
	_ =	strace $0xD0000000  }
0x3: {  	_ = 	snop  }
0x4: {  	_ = 	snop  }
0x5: {  	_ = 	snop  }
0x6: {  	_ = 	snop  }
0x7: {  	_ = 	snop  }
__scs_overlays_trampoline_lowered:
0x8: {  	[smem:$0x3FA5] =	sst s0  }
0x9: {  	[smem:$0x3FA6] =	sst s1  }
0xa: {  	[smem:$0x3FA7] =	sst s2  }
0xb: {  	[smem:$0x3FA8] =	sst s3  }
0xc: {  	[smem:$0x3FA9] =	sst s4  }
0xd: {  	[smem:$0x3FAA] =	sst s5  }
0xe: {  	[smem:$0x3FAB] =	sst s6  }
0xf: {  	[smem:$0x3FAC] =	sst s7  }
0x10: {  	[smem:$0x3FAD] =	sst s8  }
0x11: {  	[smem:$0x3FAE] =	sst s9;
	s0 =	simm.s32 @!p0 $0x0  }
0x12: {  	s1 =	sld [smem:$0x3F94];
	s0 =	simm.s32 @p0 $0x1  }
0x13: {  	[smem:$0x3FAF] =	sst s0;
	s0 =	simm.s32 @!p1 $0x0  }
0x14: {  	s2 =	sld [smem:$0x3F93];
	s0 =	simm.s32 @p1 $0x1  }
0x15: {  	[smem:$0x3FB0] =	sst s0;
	s0 =	simm.s32 @!p2 $0x0  }
0x16: {  	s3 =	sld [smem:$0x3FDB];
	s0 =	simm.s32 @p2 $0x1  }
0x17: {  	s4 =	simm.s32 $0x1BF5;
	[smem:$0x3FB2] =	sst s0  }
0x18: {  	s0 =	sld [smem:$0x3F95];
	_ =	swait.ge [sflag:s4], $0x0  }
0x19: {  	s7 =	sld [smem:$0x3F96]  }
0x1a: {  	s8 =	sadd.s32 $0xFFFFE003, lr  }
0x1b: {  	s9 =	sadd.s32 $0xFFFFFEF7, lr;
	s5 =	simm.s32 $0xFFFFFFFF;
	p2 =	slt.u32 s8, $0xFFFFF086  }
0x1c: {  	p1 =	slt.u32 s9, $0xF7A;
	s5 =	simm.s32 @!p2 $0x0  }
0x1d: {  	s5 =	simm.s32 @p1 $0x1;
	p0 =	seq.s32 s7, s2  }
0x1e: {  	s7 =	smul.u32 @!p0 $0xF7A, s2;
	p2 =	seq.s32 @!p0 s5, $0x0  }
0x1f: {  	s9 =	smul.u32 $0xF7A, s1;
	s8 =	simm.s32 @!p0 $0x1BF5;
	p2 =	por !p2, p0  }
0x20: {  	[sflag:s8] =	ssyncset.s32 @!p0 $0xFFFFF086;
	s6 =	sadd.s32 @!p0 s3, s7;
	s7 =	simm.s32 @!p0 $0x108  }
0x21: {  	s3 =	sadd.s32 s3, s9;
	s6 =	sadd.s32 @!p0 $0x88, s6;
	s7 =	simm.s32 @p2 $0x1082  }
0x22: {  	[simem:s7], [sflag:s8] =	dma.local @!p0 [hbm:s6], $0xF7A  }
0x23: {  	s9 =	sor.u32 $0xD0000000, s2;
	s6 =	simm.s32 $0x108;
	_ =	swait.ge @!p0 [sflag:s8], $0x0  }
0x24: {  	s3 =	sadd.s32 $0x88, s3;
	s6 =	simm.s32 @!p1 $0x1082;
	[sflag:s4] =	ssyncset.s32 $0xFFFFF086  }
0x25: {  	[simem:s6], [sflag:s4] =	dma.local [hbm:s3], $0xF7A  }
0x26: {  	[smem:$0x3F96] =	sst s1;
	(tag) =	ssettag s2;
	_ =	strace s9  }
0x27: {  	s1 =	sld [smem:$0x3FA6]  }
0x28: {  	s2 =	sld [smem:$0x3FA7]  }
0x29: {  	s4 =	sld [smem:$0x3FA9]  }
0x2a: {  	p0 =	seq.s32 s5, $0x0;
	s5 =	sld [smem:$0x3FAA]  }
0x2b: {  	s6 =	sld [smem:$0x3FAB]  }
0x2c: {  	s7 =	sld [smem:$0x3FAC]  }
0x2d: {  	s3 =	simm.s32 $0x108;
	s8 =	sld [smem:$0x3FAD]  }
0x2e: {  	s3 =	simm.s32 @!p0 $0x1082;
	s9 =	sld [smem:$0x3FAE]  }
0x2f: {  	lr =	sadd.s32 s0, s3;
	s0 =	sld [smem:$0x3FA5]  }
0x30: {  	s3 =	sld [smem:$0x3FA8]  }
0x31: {  	[smem:$0x3FB1] =	sst s10  }
0x32: {  	s10 =	sld [smem:$0x3FAF];
	_ =	sdelay $0x3  }
0x33: {  	p0 =	seq.s32 s10, $0x1;
	s10 =	sld [smem:$0x3FB1];
	_ =	sdelay $0x3  }
0x34: {  	[smem:$0x3FB1] =	sst s10  }
0x35: {  	s10 =	sld [smem:$0x3FB0];
	_ =	sdelay $0x3  }
0x36: {  	p1 =	seq.s32 s10, $0x1;
	s10 =	sld [smem:$0x3FB1];
	_ =	sdelay $0x3  }
0x37: {  	[smem:$0x3FB1] =	sst s10  }
0x38: {  	s10 =	sld [smem:$0x3FB2]  }
0x39: {  	_ = 	snop;
	(pc) =	sbr.ind lr, $3  }
0x3a: {  	_ = 	snop  }
0x3b: {  	_ = 	snop  }
0x3c: {  	p2 =	seq.s32 s10, $0x1;
	s10 =	sld [smem:$0x3FB1]  }
0x3d: {  	_ =	shalt  }
0x3e: {  	_ =	shalt  }
0x3f: {  	_ =	shalt  }
0x40: {  	_ =	shalt  }
0x41: {  	_ =	shalt  }
0x42: {  	_ =	shalt  }
0x43: {  	_ =	shalt  }
0x44: {  	_ =	shalt  }
0x45: {  	_ =	shalt  }
0x46: {  	_ =	shalt  }
0x47: {  	_ =	shalt  }
0x48: {  	_ =	shalt  }
0x49: {  	_ =	shalt  }
0x4a: {  	_ =	shalt  }
0x4b: {  	_ =	shalt  }
0x4c: {  	_ =	shalt  }
0x4d: {  	_ =	shalt  }
0x4e: {  	_ =	shalt  }
0x4f: {  	_ =	shalt  }
0x50: {  	_ =	shalt  }
0x51: {  	_ =	shalt  }
0x52: {  	_ =	shalt  }
0x53: {  	_ =	shalt  }
0x54: {  	_ =	shalt  }
0x55: {  	_ =	shalt  }
0x56: {  	_ =	shalt  }
0x57: {  	_ =	shalt  }
0x58: {  	_ =	shalt  }
0x59: {  	_ =	shalt  }
0x5a: {  	_ =	shalt  }
0x5b: {  	_ =	shalt  }
0x5c: {  	_ =	shalt  }
0x5d: {  	_ =	shalt  }
0x5e: {  	_ =	shalt  }
0x5f: {  	_ =	shalt  }
0x60: {  	_ =	shalt  }
0x61: {  	_ =	shalt  }
0x62: {  	_ =	shalt  }
0x63: {  	_ =	shalt  }
0x64: {  	_ =	shalt  }
0x65: {  	_ =	shalt  }
0x66: {  	_ =	shalt  }
0x67: {  	_ =	shalt  }
0x68: {  	_ =	shalt  }
0x69: {  	_ =	shalt  }
0x6a: {  	_ =	shalt  }
0x6b: {  	_ =	shalt  }
0x6c: {  	_ =	shalt  }
0x6d: {  	_ =	shalt  }
0x6e: {  	_ =	shalt  }
0x6f: {  	_ =	shalt  }
0x70: {  	_ =	shalt  }
0x71: {  	_ =	shalt  }
0x72: {  	_ =	shalt  }
0x73: {  	_ =	shalt  }
0x74: {  	_ =	shalt  }
0x75: {  	_ =	shalt  }
0x76: {  	_ =	shalt  }
0x77: {  	_ =	shalt  }
0x78: {  	_ =	shalt  }
0x79: {  	_ =	shalt  }
0x7a: {  	_ =	shalt  }
0x7b: {  	_ =	shalt  }
0x7c: {  	_ =	shalt  }
0x7d: {  	_ =	shalt  }
0x7e: {  	_ =	shalt  }
0x7f: {  	_ =	shalt  }
0x80: {  	_ =	shalt  }
0x81: {  	_ =	shalt  }
0x82: {  	_ =	shalt  }
0x83: {  	_ =	shalt  }
0x84: {  	_ =	shalt  }
0x85: {  	_ =	shalt  }
0x86: {  	_ =	shalt  }
0x87: {  	_ =	shalt  }
.Lfunc_end0:
.L_simem_size_0:
called_computation_lowered:
.L_overlay_start_0:
0x88: {  	s2 =	sld [smem:$0x3FD9]  }
0x89: {  	s3 =	sld [smem:$0x3FFE];
	_ =	sdelay $0x1  }
0x8a: {  	s1 =	srdreg.scid  }
0x8b: {  	s0 =	sand.u32 $0x1, s1  }
0x8c: {  	s14 =	sshll.u32 s0, $0xA;
	s2 =	sadd.s32 s3, s2  }
0x8d: {  	s2 =	sadd.s32 s2, s14  }
0x8e: {  	[smem:$0x3FBD] =	sst s2  }
0x8f: {  	_ = 	snop  }
0x90: {  	s2 =	sld [smem:$0x3FD0];
	_ =	sdelay $0x2  }
0x91: {  	s15 =	simm.s32 $0xA;
	s4 =	simm.s32 $0x10  }
0x92: {  	[smem:s4], [sflag:s15] =	dma.local [hbm:s2], $0x1  }
0x93: {  	_ =	swait.eq [sflag:s15], $0x1  }
0x94: {  	[sflag:s15] =	ssyncset.done $0x0  }
0x95: {  	s16 =	sld [smem:$0x10];
	[sflag:s15] =	ssyncadd.s32 $0xFFFFFFFF  }
0x96: {  	s17 =	sld [smem:$0x13];
	(tm) =	ssettm $0x1  }
0x97: {  	s18 =	sld [smem:$0x3FFB];
	_ =	sdelay $0x3  }
0x98: {  	_ =	strace s18  }
0x99: {  	s4 =	sld [smem:$0x3FFC];
	_ =	sdelay $0x3  }
0x9a: {  	_ =	strace s4  }
0x9b: {  	s4 =	sld [smem:$0x3FFD];
	_ =	sdelay $0x3  }
0x9c: {  	_ =	strace s4  }
0x9d: {  	_ =	strace $0x8FFFFFFF  }
0x9e: {  	s19 =	sld [smem:$0x3FDB];
	_ =	sdelay $0x1  }
0x9f: {  	s5 =	simm.s32 $_scs_section_size  }
0xa0: {  	s6 =	simm.s32 $_size__tile_overlayer_lowered;
	s7 =	simm.s32 $_tile_overlayer_lowered  }
0xa1: {  	s22 =	simm.s32 $0x1BFF;
	s21 =	sshll.u32 s7, $0x1;
	s4 =	sadd.s32 s5, s19  }
0xa2: {  	s8 =	simm.s32 $0x0;
	s20 =	sshll.u32 s6, $0x1;
	s6 =	sadd.s32 s21, s4  }
0xa3: {  	[timem:s8], [sflag:s22] =	dma.local [hbm:s6], s20  }
0xa4: {  	_ =	swait.ge [sflag:s22], s20  }
0xa5: {  	s5 =	ssub.s32 $0x0, s20;
	[sflag:s22] =	ssyncset.done $0x0  }
0xa6: {  	[sflag:s22] =	ssyncadd.s32 s5;
	_ =	sdelay $0x1  }
0xa7: {  	s23 =	simm.s32 $0x1B8B  }
0xa8: {  	_ =	swait.ge [sflag:s23], $0x1  }
0xa9: {  	[sflag:s23] =	ssyncset.done $0x0  }
0xaa: {  	s25 =	simm.s32 $0x1B8E;
	s24 =	sld [smem:$0x3FFE];
	[sflag:s23] =	ssyncadd.s32 $0xFFFFFFFF  }
0xab: {  	s26 =	simm.s32 $execute0_lowered;
	[smem:$0x3FD2] =	sst s25  }
0xac: {  	s6 =	sshll.u32 s26, $0x1;
	_ =	strace $0x80000046;
	[dreg:$0x1] =	wrdreg $0xFFFFFFFF  }
0xad: {  	s28 =	simm.s32 $_size_execute0_lowered;
	s4 =	sadd.s32 s4, s6;
	[dreg:$0x0] =	wrdreg $0x0  }
0xae: {  	s6 =	sshll.u32 s28, $0x1;
	[dreg:$0x2] =	wrdreg s4  }
0xaf: {  	[dreg:$0x3] =	wrdreg s6  }
0xb0: {  	[dreg:$0x4] =	wrdreg $0xC0  }
0xb1: {  	_ =	task [dreg:s8], $0x5FFFF  }
0xb2: {  	[dreg:$0x1] =	wrdreg $0xFFFFFFFF  }
0xb3: {  	[dreg:$0x0] =	wrdreg $0x60  }
0xb4: {  	[dreg:$0x2] =	wrdreg s16  }
0xb5: {  	[dreg:$0x3] =	wrdreg s24  }
0xb6: {  	[dreg:$0x4] =	wrdreg s17  }
0xb7: {  	[dreg:$0x5] =	wrdreg $0x9  }
0xb8: {  	_ =	task.clear_ibuf [dreg:s8], $0x6FFFF;
	_ =	strace $0x90000046  }
0xb9: {  	s29 =	simm.s32 $0x9;
	_ =	strace $0x80000056  }
0xba: {  	_ =	swait.ge [sflag:s29], $0x1  }
0xbb: {  	[sflag:s29] =	ssyncadd.s32 $0xFFFFFFFF  }
0xbc: {  	_ =	strace $0x90000056  }
0xbd: {  	_ =	sfence  }
0xbe: {  	s30 =	sld [smem:$0x0];
	_ =	sdelay $0x2  }
0xbf: {  	s31 =	sshll.u32 s1, $0xD;
	s1 =	sshrl.u32 s1, $0x2  }
0xc0: {  	s3 =	sand.u32 $0x4000, s31;
	s1 =	sadd.s32 s1, s30  }
0xc1: {  	s0 =	sor.u32 s3, s0;
	s1 =	sshll.u32 s1, $0x11  }
0xc2: {  	s0 =	sor.u32 s1, s0  }
0xc3: {  	s0 =	sadd.s32 $0x8F2B, s0  }
0xc4: {  	[sflag:s0] =	ssyncadd.remote.s32 $0x1  }
0xc5: {  	_ =	sfence.sel $0xFFFF  }
0xc6: {  	[dreg:$0x0] =	wrdreg $0xFFFFFFFF;
	(pc) =	sbr.abs _section_cstart, $3  }
0xc7: {  	[dreg:$0x1] =	wrdreg $0xFFFFFFFF  }
0xc8: {  	_ =	task.clear_ibuf [dreg:s8], $0x2FFFF;
	_ =	strace $0x9FFFFFFF  }
0xc9: {  	(tm) =	ssettm $0x7FFFFFFF  }
tec
execute0_lowered:
.L_overlay_start_1:
0x0: {  	(tag) =	ssettag $0x1  }
0x1: {  	s1 =	rddreg [dreg:$0x0]  }
0x2: {  	s8 =	rddreg [dreg:$0x1]  }
0x3: {  	s3 =	rddreg [dreg:$0x2]  }
0x4: {  	s0 =	rddreg [dreg:$0x3];
	s5 =	srdreg.scid  }
0x5: {  	s4 =	simm.s32 $0x0;
	s2 =	stileid.u32;
	s13 =	simm.s32 $0x5  }
0x6: {  	s14 =	simm.s32 $0x4;
	s15 =	simm.s32 $0x0;
	s7 =	sand.u32 $0x1, s5  }
0x7: {  	[smem:$0x7FF] =	sst s4;
	s6 =	sshll.u32 s2, $0x1;
	s10 =	sshll.u32 s2, $0x5  }
0x8: {  	s5 =	sshll.u32 s7, $0x5;
	_ =	strace $0x80000047;
	s11 =	ssub.s32 $0x2, s7  }
.Ltmp0:
0x9: {  	s10 =	sand.u32 $0x60, s10;
	s5 =	sor.u32 s6, s5;
	(pc) =	sbr.rel .LBB2_1-.Ltmp0, $4  }
0xa: {  	s7 =	sadd.s32 $0x8C00, s8;
	s6 =	sadd.s32 $0x800, s8;
	s9 =	sshll.u32 s5, $0x4  }
0xb: {  	v2 =	vlaneseq.u32;
	s12 =	sshrl.u32 s11, $0x1;
	s8 =	sadd.s32 $0x8800, s8;
	s9 =	sand.u32 $0x380, s9  }
0xc: {  	vm0 =	vmmov $0xffff;
	v1 =	vshrl.u32 v2, $0x3;
	s12 =	ssub.s32 s11, s12;
	s11 =	sadd.s32 $0x100, s3;
	s10 =	sor.u32 s10, s9  }
0xd: {  	v0 =	vand.u32 $0x7, v2;
	v2 =	vor.u32 $0x8, v2;
	v1 =	vmul.u32 $0x8, v1;
	s12 =	smax.u32 s12, $0x1;
	s9 =	sadd.s32 s7, s10;
	s10 =	sadd.s32 s8, s10  }
.LBB2_7:
0xe: {  	s16 =	sand.u32 $0x1, s17  }
0xf: {  	_ =	strace $0x80000054;
	s16 =	sadd.s32 $0x3, s16  }
0x10: {  	_ =	swait.ge [sflag:s16], $0x8000  }
0x11: {  	[sflag:s16] =	ssyncset.done $0x0  }
0x12: {  	s15 =	sadd.s32 $0x1, s15;
	[sflag:s16] =	ssyncadd.s32 $0xFFFF8000  }
0x13: {  	p0 =	sne.s32 s15, s12;
	_ =	strace $0x90000054  }
.Ltmp1:
0x14: {  	_ =	strace $0x80000055;
	(pc) =	sbr.rel @!p0 .LBB2_8-.Ltmp1, $4  }
0x15: {  	_ =	swait.ge [sflag:s14], $0x8000  }
0x16: {  	[sflag:s14] =	ssyncset.done $0x0  }
0x17: {  	[sflag:s14] =	ssyncadd.s32 $0xFFFF8000  }
0x18: {  	_ =	strace $0x90000055  }
.LBB2_1:
0x19: {  	_ =	strace $0x80000048  }
0x1a: {  	p0 =	por $0x1, $0x1;
	p2 =	por $0x0, $0x0;
	s17 =	simm.s32 $0x0  }
0x1b: {  	s16 =	simm.s32 $0x0;
	s21 =	simm.s32 $0x0;
	s18 =	simm.s32 $0x0  }
0x1c: {  	[tilespmem:s4], [sflag:$0x1] =	stream.linear.gather [hbm4b:s9+s4], $0x80, $0x200038;
	[tilespmem:$0x10100] =	vst v63  }
0x1d: {  	s19 =	simm.s32 $0x1;
	s20 =	simm.s32 $0x0;
	_ =	strace $0x90000048  }
.LBB2_2:
0x1e: {  	s22 =	smov.u32 s17;
	s17 =	sadd.s32 $0x1, s17  }
0x1f: {  	p1 =	seq.s32 s17, $0x2  }
0x20: {  	s17 =	simm.s32 @p1 $0x0  }
0x21: {  	p1 =	sne.s32 s22, s17  }
0x22: {  	p1 =	por !p0, !p1  }
0x23: {  	p1 =	por !p1, !p1  }
0x24: {  	s23 =	sadd.s32 @p1 s5, s17  }
0x25: {  	s24 =	sand.u32 @p1 $0x1, s19;
	s23 =	sshll.u32 @p1 s23, $0x4  }
0x26: {  	_ =	strace @p1 $0x80000049;
	s26 =	simm.s32 @p1 $0x0;
	s23 =	sand.u32 @p1 $0x1FFFFFF0, s23  }
0x27: {  	s25 =	sshll.u32 @p1 s24, $0x7;
	s24 =	sadd.s32 @p1 $0x1, s24;
	s23 =	sadd.s32 @p1 s7, s23  }
0x28: {  	[tilespmem:s25], [sflag:s24] =	stream.linear.gather @p1 [hbm4b:s23+s26], $0x80, $0x200038;
	[tilespmem:$0x10100] =	vst v63  }
0x29: {  	s29 =	sand.u32 $0x1, s18;
	_ =	strace @p1 $0x90000049  }
0x2a: {  	s23 =	sadd.s32 $0x1, s29;
	_ =	strace $0x8000004A  }
0x2b: {  	_ =	swait.ge [sflag:s23], $0x80  }
0x2c: {  	[sflag:s23] =	ssyncset.done $0x0  }
0x2d: {  	[sflag:s23] =	ssyncadd.s32 $0xFFFFFF80  }
0x2e: {  	s30 =	sshll.u32 s18, $0x7;
	_ =	strace $0x9000004A  }
0x2f: {  	s26 =	sand.u32 $0x80, s30;
	_ =	strace $0x8000004B  }
0x30: {  	v3 =	vld [tilespmem:s26+$0x0];
	_ =	sdelay $0x4  }
0x31: {  	v4 =	vshll.u32 v3, $0x1  }
0x32: {  	v3 =	vand.u32 $0x7, v3;
	v4 =	vand.u32 $0xFFFFFFF0, v4  }
0x33: {  	v3 =	vor.u32 v3, v4  }
0x34: {  	v4 =	vperm.xlane v3, v0;
	_ =	sdelay $0x1  }
0x35: {  	v3 =	vperm.xlane v3, v2;
	v4 =	vadd.s32 v1, v4;
	_ =	sdelay $0x1  }
0x36: {  	s24 =	sand.u32 $0x1, s21;
	v3 =	vadd.s32 v1, v3  }
0x37: {  	s25 =	sshll.u32 s24, $0xF  }
0x38: {  	s23 =	sor.u32 $0x100, s25  }
0x39: {  	[tilespmem:s23], [sflag:$0x5] =	stream.indirect_vreg.gather [hbm4b:s1+s4], $0x80, v4, vm0, $0x2000b8;
	[tilespmem:$0x10100] =	vst v63  }
0x3a: {  	s28 =	sor.u32 $0x900, s25  }
0x3b: {  	[tilespmem:s28], [sflag:$0x5] =	stream.indirect_vreg.gather [hbm4b:s1+s4], $0x80, v3, vm0, $0x2000b8;
	[tilespmem:$0x10100] =	vst v63  }
0x3c: {  	v3 =	vld [tilespmem:s26+$0x10];
	_ =	sdelay $0x4  }
0x3d: {  	v57 =	vshll.u32 v3, $0x1  }
0x3e: {  	v3 =	vand.u32 $0x7, v3;
	v4 =	vand.u32 $0xFFFFFFF0, v57  }
0x3f: {  	v3 =	vor.u32 v3, v4  }
0x40: {  	v4 =	vperm.xlane v3, v0;
	_ =	sdelay $0x1  }
0x41: {  	v3 =	vperm.xlane v3, v2;
	v4 =	vadd.s32 v1, v4;
	_ =	sdelay $0x1  }
0x42: {  	v3 =	vadd.s32 v1, v3;
	_ =	sdelay $0x1  }
0x43: {  	s31 =	sor.u32 $0x1100, s25  }
0x44: {  	[tilespmem:s31], [sflag:$0x5] =	stream.indirect_vreg.gather [hbm4b:s1+s4], $0x80, v4, vm0, $0x2000b8;
	[tilespmem:$0x10100] =	vst v63  }
0x45: {  	s29 =	sor.u32 $0x1900, s25  }
0x46: {  	[tilespmem:s29], [sflag:$0x5] =	stream.indirect_vreg.gather [hbm4b:s1+s4], $0x80, v3, vm0, $0x2000b8;
	[tilespmem:$0x10100] =	vst v63  }
0x47: {  	v3 =	vld [tilespmem:s26+$0x20];
	_ =	sdelay $0x4  }
0x48: {  	v58 =	vshll.u32 v3, $0x1  }
0x49: {  	v3 =	vand.u32 $0x7, v3;
	v4 =	vand.u32 $0xFFFFFFF0, v58  }
0x4a: {  	v3 =	vor.u32 v3, v4  }
0x4b: {  	v4 =	vperm.xlane v3, v0;
	_ =	sdelay $0x1  }
0x4c: {  	v3 =	vperm.xlane v3, v2;
	v4 =	vadd.s32 v1, v4;
	_ =	sdelay $0x1  }
0x4d: {  	v3 =	vadd.s32 v1, v3;
	_ =	sdelay $0x1  }
0x4e: {  	s30 =	sor.u32 $0x2100, s25  }
0x4f: {  	[tilespmem:s30], [sflag:$0x5] =	stream.indirect_vreg.gather [hbm4b:s1+s4], $0x80, v4, vm0, $0x2000b8;
	[tilespmem:$0x10100] =	vst v63  }
0x50: {  	s31 =	sor.u32 $0x2900, s25  }
0x51: {  	[tilespmem:s31], [sflag:$0x5] =	stream.indirect_vreg.gather [hbm4b:s1+s4], $0x80, v3, vm0, $0x2000b8;
	[tilespmem:$0x10100] =	vst v63  }
0x52: {  	v3 =	vld [tilespmem:s26+$0x30];
	_ =	sdelay $0x4  }
0x53: {  	v59 =	vshll.u32 v3, $0x1  }
0x54: {  	v3 =	vand.u32 $0x7, v3;
	v4 =	vand.u32 $0xFFFFFFF0, v59  }
0x55: {  	v3 =	vor.u32 v3, v4  }
0x56: {  	v4 =	vperm.xlane v3, v0;
	_ =	sdelay $0x1  }
0x57: {  	v3 =	vperm.xlane v3, v2;
	v4 =	vadd.s32 v1, v4;
	_ =	sdelay $0x1  }
0x58: {  	v3 =	vadd.s32 v1, v3;
	_ =	sdelay $0x1  }
0x59: {  	s29 =	sor.u32 $0x3100, s25  }
0x5a: {  	[tilespmem:s29], [sflag:$0x5] =	stream.indirect_vreg.gather [hbm4b:s1+s4], $0x80, v4, vm0, $0x2000b8;
	[tilespmem:$0x10100] =	vst v63  }
0x5b: {  	s30 =	sor.u32 $0x3900, s25  }
0x5c: {  	[tilespmem:s30], [sflag:$0x5] =	stream.indirect_vreg.gather [hbm4b:s1+s4], $0x80, v3, vm0, $0x2000b8;
	[tilespmem:$0x10100] =	vst v63  }
0x5d: {  	v3 =	vld [tilespmem:s26+$0x40];
	_ =	sdelay $0x4  }
0x5e: {  	v60 =	vshll.u32 v3, $0x1  }
0x5f: {  	v3 =	vand.u32 $0x7, v3;
	v4 =	vand.u32 $0xFFFFFFF0, v60  }
0x60: {  	v3 =	vor.u32 v3, v4  }
0x61: {  	v4 =	vperm.xlane v3, v0;
	_ =	sdelay $0x1  }
0x62: {  	v3 =	vperm.xlane v3, v2;
	v4 =	vadd.s32 v1, v4;
	_ =	sdelay $0x1  }
0x63: {  	v3 =	vadd.s32 v1, v3;
	_ =	sdelay $0x1  }
0x64: {  	s31 =	sor.u32 $0x4100, s25  }
0x65: {  	[tilespmem:s31], [sflag:$0x5] =	stream.indirect_vreg.gather [hbm4b:s1+s4], $0x80, v4, vm0, $0x2000b8;
	[tilespmem:$0x10100] =	vst v63  }
0x66: {  	s29 =	sor.u32 $0x4900, s25  }
0x67: {  	[tilespmem:s29], [sflag:$0x5] =	stream.indirect_vreg.gather [hbm4b:s1+s4], $0x80, v3, vm0, $0x2000b8;
	[tilespmem:$0x10100] =	vst v63  }
0x68: {  	v3 =	vld [tilespmem:s26+$0x50];
	_ =	sdelay $0x4  }
0x69: {  	v61 =	vshll.u32 v3, $0x1  }
0x6a: {  	v3 =	vand.u32 $0x7, v3;
	v4 =	vand.u32 $0xFFFFFFF0, v61  }
0x6b: {  	v3 =	vor.u32 v3, v4  }
0x6c: {  	v4 =	vperm.xlane v3, v0;
	_ =	sdelay $0x1  }
0x6d: {  	v3 =	vperm.xlane v3, v2;
	v4 =	vadd.s32 v1, v4;
	_ =	sdelay $0x1  }
0x6e: {  	v3 =	vadd.s32 v1, v3;
	_ =	sdelay $0x1  }
0x6f: {  	s30 =	sor.u32 $0x5100, s25  }
0x70: {  	[tilespmem:s30], [sflag:$0x5] =	stream.indirect_vreg.gather [hbm4b:s1+s4], $0x80, v4, vm0, $0x2000b8;
	[tilespmem:$0x10100] =	vst v63  }
0x71: {  	s31 =	sor.u32 $0x5900, s25  }
0x72: {  	[tilespmem:s31], [sflag:$0x5] =	stream.indirect_vreg.gather [hbm4b:s1+s4], $0x80, v3, vm0, $0x2000b8;
	[tilespmem:$0x10100] =	vst v63  }
0x73: {  	v3 =	vld [tilespmem:s26+$0x60];
	_ =	sdelay $0x4  }
0x74: {  	v62 =	vshll.u32 v3, $0x1  }
0x75: {  	v3 =	vand.u32 $0x7, v3;
	v4 =	vand.u32 $0xFFFFFFF0, v62  }
0x76: {  	v3 =	vor.u32 v3, v4  }
0x77: {  	v4 =	vperm.xlane v3, v0;
	_ =	sdelay $0x1  }
0x78: {  	v3 =	vperm.xlane v3, v2;
	v4 =	vadd.s32 v1, v4;
	_ =	sdelay $0x1  }
0x79: {  	v3 =	vadd.s32 v1, v3;
	_ =	sdelay $0x1  }
0x7a: {  	s29 =	sor.u32 $0x6100, s25  }
0x7b: {  	[tilespmem:s29], [sflag:$0x5] =	stream.indirect_vreg.gather [hbm4b:s1+s4], $0x80, v4, vm0, $0x2000b8;
	[tilespmem:$0x10100] =	vst v63  }
0x7c: {  	s30 =	sor.u32 $0x6900, s25  }
0x7d: {  	[tilespmem:s30], [sflag:$0x5] =	stream.indirect_vreg.gather [hbm4b:s1+s4], $0x80, v3, vm0, $0x2000b8;
	[tilespmem:$0x10100] =	vst v63  }
0x7e: {  	v3 =	vld [tilespmem:s26+$0x70];
	_ =	sdelay $0x4  }
0x7f: {  	v63 =	vshll.u32 v3, $0x1  }
0x80: {  	v3 =	vand.u32 $0x7, v3;
	v4 =	vand.u32 $0xFFFFFFF0, v63  }
0x81: {  	v3 =	vor.u32 v3, v4  }
0x82: {  	v4 =	vperm.xlane v3, v0;
	_ =	sdelay $0x1  }
0x83: {  	v3 =	vperm.xlane v3, v2;
	v4 =	vadd.s32 v1, v4;
	_ =	sdelay $0x1  }
0x84: {  	v3 =	vadd.s32 v1, v3;
	_ =	sdelay $0x1  }
0x85: {  	p2 =	por !p2, !p2;
	p3 =	seq.s32 s22, s17;
	s31 =	sor.u32 $0x7100, s25  }
0x86: {  	[tilespmem:s31], [sflag:$0x5] =	stream.indirect_vreg.gather [hbm4b:s1+s4], $0x80, v4, vm0, $0x2000b8;
	[tilespmem:$0x10100] =	vst v63  }
0x87: {  	p2 =	por !p2, !p3;
	s25 =	sor.u32 $0x7900, s25  }
0x88: {  	[tilespmem:s25], [sflag:$0x5] =	stream.indirect_vreg.gather [hbm4b:s1+s4], $0x80, v3, vm0, $0x2000b8;
	[tilespmem:$0x10100] =	vst v63  }
0x89: {  	s22 =	sadd.s32 s5, s22;
	p2 =	por !p2, !p2;
	_ =	swait.ge [sflag:s13], $0x8000  }
0x8a: {  	s22 =	sshll.u32 @!p2 s22, $0xD;
	p0 =	por p2, p0;
	[sflag:s13] =	ssyncset.done $0x0  }
.Ltmp2:
0x8b: {  	s22 =	sand.u32 @!p2 $0x1FFFE000, s22;
	[sflag:s13] =	ssyncadd.s32 $0xFFFF8000;
	(pc) =	sbr.rel @!p0 .LBB2_4-.Ltmp2, $4  }
0x8c: {  	s22 =	sadd.s32 @!p2 s3, s22;
	s24 =	sadd.s32 @!p2 $0x3, s24;
	_ =	strace $0x9000004B  }
0x8d: {  	s26 =	simm.s32 @!p2 $0x1000;
	s25 =	simm.s32 @!p2 $0x800;
	_ =	strace @!p2 $0x8000004C  }
0x8e: {  	[hbm4b:s22+s25] =	stream.strided.scatter @!p2 [tilespmem:s23], [sflag:s24], $0x8000, s26, s25, $0x200038;
	[tilespmem:$0x10100] =	vst v63  }
0x8f: {  	_ =	strace @!p2 $0x9000004C  }
.Ltmp3:
0x90: {  	s22 =	simm.s32 $0x1;
	(pc) =	sbr.rel .LBB2_2-.Ltmp3, $4  }
0x91: {  	s23 =	simm.s32 @!p2 $0x1;
	s16 =	sadd.s32 s20, s16;
	s22 =	simm.s32 @!p1 $0x0  }
0x92: {  	s20 =	simm.s32 $0x1;
	s19 =	sadd.s32 s22, s19;
	s22 =	sadd.s32 @!p2 $0x1, s21  }
0x93: {  	p0 =	por $0x0, $0x0;
	s23 =	simm.s32 @p2 $0x0;
	s22 =	smov.u32 @p2 s21  }
0x94: {  	s18 =	sadd.s32 s18, s23;
	p2 =	por $0x1, $0x1;
	s21 =	smov.u32 s22  }
.LBB2_4:
0x95: {  	s16 =	sand.u32 $0x1, s16  }
0x96: {  	_ =	strace $0x8000004D;
	s16 =	sadd.s32 $0x3, s16  }
0x97: {  	_ =	swait.ge [sflag:s16], $0x8000  }
0x98: {  	[sflag:s16] =	ssyncset.done $0x0  }
0x99: {  	[sflag:s16] =	ssyncadd.s32 $0xFFFF8000  }
0x9a: {  	_ =	strace $0x9000004D  }
0x9b: {  	_ =	strace $0x8000004E  }
0x9c: {  	_ =	swait.ge [sflag:s14], $0x8000  }
0x9d: {  	[sflag:s14] =	ssyncset.done $0x0  }
0x9e: {  	p0 =	por $0x1, $0x1;
	p2 =	por $0x0, $0x0;
	[sflag:s14] =	ssyncadd.s32 $0xFFFF8000  }
0x9f: {  	s18 =	simm.s32 $0x1;
	s17 =	simm.s32 $0x0;
	_ =	strace $0x9000004E  }
0xa0: {  	s21 =	simm.s32 $0x0;
	s16 =	simm.s32 $0x0;
	_ =	strace $0x8000004F  }
0xa1: {  	[tilespmem:s16], [sflag:$0x1] =	stream.linear.gather [hbm4b:s10+s16], $0x80, $0x200038;
	[tilespmem:$0x10100] =	vst v63  }
0xa2: {  	s19 =	simm.s32 $0x0;
	s20 =	simm.s32 $0x0;
	_ =	strace $0x9000004F  }
.LBB2_5:
0xa3: {  	s22 =	smov.u32 s16;
	s16 =	sadd.s32 $0x1, s16  }
0xa4: {  	p1 =	seq.s32 s16, $0x2  }
0xa5: {  	s16 =	simm.s32 @p1 $0x0  }
0xa6: {  	p1 =	sne.s32 s22, s16  }
0xa7: {  	p1 =	por !p0, !p1  }
0xa8: {  	p1 =	por !p1, !p1  }
0xa9: {  	s23 =	sadd.s32 @p1 s5, s16  }
0xaa: {  	s24 =	sand.u32 @p1 $0x1, s18;
	s23 =	sshll.u32 @p1 s23, $0x4  }
0xab: {  	_ =	strace @p1 $0x80000050;
	s26 =	simm.s32 @p1 $0x0;
	s23 =	sand.u32 @p1 $0x1FFFFFF0, s23  }
0xac: {  	s25 =	sshll.u32 @p1 s24, $0x7;
	s24 =	sadd.s32 @p1 $0x1, s24;
	s23 =	sadd.s32 @p1 s8, s23  }
0xad: {  	[tilespmem:s25], [sflag:s24] =	stream.linear.gather @p1 [hbm4b:s23+s26], $0x80, $0x200038;
	[tilespmem:$0x10100] =	vst v63  }
0xae: {  	s29 =	sand.u32 $0x1, s19;
	_ =	strace @p1 $0x90000050  }
0xaf: {  	s23 =	sadd.s32 $0x1, s29;
	_ =	strace $0x80000051  }
0xb0: {  	_ =	swait.ge [sflag:s23], $0x80  }
0xb1: {  	[sflag:s23] =	ssyncset.done $0x0  }
0xb2: {  	[sflag:s23] =	ssyncadd.s32 $0xFFFFFF80  }
0xb3: {  	s30 =	sshll.u32 s19, $0x7;
	_ =	strace $0x90000051  }
0xb4: {  	s26 =	sand.u32 $0x80, s30;
	_ =	strace $0x80000052  }
0xb5: {  	v3 =	vld [tilespmem:s26+$0x0];
	_ =	sdelay $0x4  }
0xb6: {  	v4 =	vshll.u32 v3, $0x1  }
0xb7: {  	v3 =	vand.u32 $0x7, v3;
	v4 =	vand.u32 $0xFFFFFFF0, v4  }
0xb8: {  	v3 =	vor.u32 v3, v4  }
0xb9: {  	v4 =	vperm.xlane v3, v0;
	_ =	sdelay $0x1  }
0xba: {  	v3 =	vperm.xlane v3, v2;
	v4 =	vadd.s32 v1, v4;
	_ =	sdelay $0x1  }
0xbb: {  	s24 =	sand.u32 $0x1, s21;
	v3 =	vadd.s32 v1, v3  }
0xbc: {  	s25 =	sshll.u32 s24, $0xF  }
0xbd: {  	s23 =	sor.u32 $0x100, s25  }
0xbe: {  	[tilespmem:s23], [sflag:$0x5] =	stream.indirect_vreg.gather [hbm4b:s6+s4], $0x80, v4, vm0, $0x2000b8;
	[tilespmem:$0x10100] =	vst v63  }
0xbf: {  	s28 =	sor.u32 $0x900, s25  }
0xc0: {  	[tilespmem:s28], [sflag:$0x5] =	stream.indirect_vreg.gather [hbm4b:s6+s4], $0x80, v3, vm0, $0x2000b8;
	[tilespmem:$0x10100] =	vst v63  }
0xc1: {  	v3 =	vld [tilespmem:s26+$0x10];
	_ =	sdelay $0x4  }
0xc2: {  	v57 =	vshll.u32 v3, $0x1  }
0xc3: {  	v3 =	vand.u32 $0x7, v3;
	v4 =	vand.u32 $0xFFFFFFF0, v57  }
0xc4: {  	v3 =	vor.u32 v3, v4  }
0xc5: {  	v4 =	vperm.xlane v3, v0;
	_ =	sdelay $0x1  }
0xc6: {  	v3 =	vperm.xlane v3, v2;
	v4 =	vadd.s32 v1, v4;
	_ =	sdelay $0x1  }
0xc7: {  	v3 =	vadd.s32 v1, v3;
	_ =	sdelay $0x1  }
0xc8: {  	s31 =	sor.u32 $0x1100, s25  }
0xc9: {  	[tilespmem:s31], [sflag:$0x5] =	stream.indirect_vreg.gather [hbm4b:s6+s4], $0x80, v4, vm0, $0x2000b8;
	[tilespmem:$0x10100] =	vst v63  }
0xca: {  	s29 =	sor.u32 $0x1900, s25  }
0xcb: {  	[tilespmem:s29], [sflag:$0x5] =	stream.indirect_vreg.gather [hbm4b:s6+s4], $0x80, v3, vm0, $0x2000b8;
	[tilespmem:$0x10100] =	vst v63  }
0xcc: {  	v3 =	vld [tilespmem:s26+$0x20];
	_ =	sdelay $0x4  }
0xcd: {  	v58 =	vshll.u32 v3, $0x1  }
0xce: {  	v3 =	vand.u32 $0x7, v3;
	v4 =	vand.u32 $0xFFFFFFF0, v58  }
0xcf: {  	v3 =	vor.u32 v3, v4  }
0xd0: {  	v4 =	vperm.xlane v3, v0;
	_ =	sdelay $0x1  }
0xd1: {  	v3 =	vperm.xlane v3, v2;
	v4 =	vadd.s32 v1, v4;
	_ =	sdelay $0x1  }
0xd2: {  	v3 =	vadd.s32 v1, v3;
	_ =	sdelay $0x1  }
0xd3: {  	s30 =	sor.u32 $0x2100, s25  }
0xd4: {  	[tilespmem:s30], [sflag:$0x5] =	stream.indirect_vreg.gather [hbm4b:s6+s4], $0x80, v4, vm0, $0x2000b8;
	[tilespmem:$0x10100] =	vst v63  }
0xd5: {  	s31 =	sor.u32 $0x2900, s25  }
0xd6: {  	[tilespmem:s31], [sflag:$0x5] =	stream.indirect_vreg.gather [hbm4b:s6+s4], $0x80, v3, vm0, $0x2000b8;
	[tilespmem:$0x10100] =	vst v63  }
0xd7: {  	v3 =	vld [tilespmem:s26+$0x30];
	_ =	sdelay $0x4  }
0xd8: {  	v59 =	vshll.u32 v3, $0x1  }
0xd9: {  	v3 =	vand.u32 $0x7, v3;
	v4 =	vand.u32 $0xFFFFFFF0, v59  }
0xda: {  	v3 =	vor.u32 v3, v4  }
0xdb: {  	v4 =	vperm.xlane v3, v0;
	_ =	sdelay $0x1  }
0xdc: {  	v3 =	vperm.xlane v3, v2;
	v4 =	vadd.s32 v1, v4;
	_ =	sdelay $0x1  }
0xdd: {  	v3 =	vadd.s32 v1, v3;
	_ =	sdelay $0x1  }
0xde: {  	s29 =	sor.u32 $0x3100, s25  }
0xdf: {  	[tilespmem:s29], [sflag:$0x5] =	stream.indirect_vreg.gather [hbm4b:s6+s4], $0x80, v4, vm0, $0x2000b8;
	[tilespmem:$0x10100] =	vst v63  }
0xe0: {  	s30 =	sor.u32 $0x3900, s25  }
0xe1: {  	[tilespmem:s30], [sflag:$0x5] =	stream.indirect_vreg.gather [hbm4b:s6+s4], $0x80, v3, vm0, $0x2000b8;
	[tilespmem:$0x10100] =	vst v63  }
0xe2: {  	v3 =	vld [tilespmem:s26+$0x40];
	_ =	sdelay $0x4  }
0xe3: {  	v60 =	vshll.u32 v3, $0x1  }
0xe4: {  	v3 =	vand.u32 $0x7, v3;
	v4 =	vand.u32 $0xFFFFFFF0, v60  }
0xe5: {  	v3 =	vor.u32 v3, v4  }
0xe6: {  	v4 =	vperm.xlane v3, v0;
	_ =	sdelay $0x1  }
0xe7: {  	v3 =	vperm.xlane v3, v2;
	v4 =	vadd.s32 v1, v4;
	_ =	sdelay $0x1  }
0xe8: {  	v3 =	vadd.s32 v1, v3;
	_ =	sdelay $0x1  }
0xe9: {  	s31 =	sor.u32 $0x4100, s25  }
0xea: {  	[tilespmem:s31], [sflag:$0x5] =	stream.indirect_vreg.gather [hbm4b:s6+s4], $0x80, v4, vm0, $0x2000b8;
	[tilespmem:$0x10100] =	vst v63  }
0xeb: {  	s29 =	sor.u32 $0x4900, s25  }
0xec: {  	[tilespmem:s29], [sflag:$0x5] =	stream.indirect_vreg.gather [hbm4b:s6+s4], $0x80, v3, vm0, $0x2000b8;
	[tilespmem:$0x10100] =	vst v63  }
0xed: {  	v3 =	vld [tilespmem:s26+$0x50];
	_ =	sdelay $0x4  }
0xee: {  	v61 =	vshll.u32 v3, $0x1  }
0xef: {  	v3 =	vand.u32 $0x7, v3;
	v4 =	vand.u32 $0xFFFFFFF0, v61  }
0xf0: {  	v3 =	vor.u32 v3, v4  }
0xf1: {  	v4 =	vperm.xlane v3, v0;
	_ =	sdelay $0x1  }
0xf2: {  	v3 =	vperm.xlane v3, v2;
	v4 =	vadd.s32 v1, v4;
	_ =	sdelay $0x1  }
0xf3: {  	v3 =	vadd.s32 v1, v3;
	_ =	sdelay $0x1  }
0xf4: {  	s30 =	sor.u32 $0x5100, s25  }
0xf5: {  	[tilespmem:s30], [sflag:$0x5] =	stream.indirect_vreg.gather [hbm4b:s6+s4], $0x80, v4, vm0, $0x2000b8;
	[tilespmem:$0x10100] =	vst v63  }
0xf6: {  	s31 =	sor.u32 $0x5900, s25  }
0xf7: {  	[tilespmem:s31], [sflag:$0x5] =	stream.indirect_vreg.gather [hbm4b:s6+s4], $0x80, v3, vm0, $0x2000b8;
	[tilespmem:$0x10100] =	vst v63  }
0xf8: {  	v3 =	vld [tilespmem:s26+$0x60];
	_ =	sdelay $0x4  }
0xf9: {  	v62 =	vshll.u32 v3, $0x1  }
0xfa: {  	v3 =	vand.u32 $0x7, v3;
	v4 =	vand.u32 $0xFFFFFFF0, v62  }
0xfb: {  	v3 =	vor.u32 v3, v4  }
0xfc: {  	v4 =	vperm.xlane v3, v0;
	_ =	sdelay $0x1  }
0xfd: {  	v3 =	vperm.xlane v3, v2;
	v4 =	vadd.s32 v1, v4;
	_ =	sdelay $0x1  }
0xfe: {  	v3 =	vadd.s32 v1, v3;
	_ =	sdelay $0x1  }
0xff: {  	s29 =	sor.u32 $0x6100, s25  }
0x100: {  	[tilespmem:s29], [sflag:$0x5] =	stream.indirect_vreg.gather [hbm4b:s6+s4], $0x80, v4, vm0, $0x2000b8;
	[tilespmem:$0x10100] =	vst v63  }
0x101: {  	s30 =	sor.u32 $0x6900, s25  }
0x102: {  	[tilespmem:s30], [sflag:$0x5] =	stream.indirect_vreg.gather [hbm4b:s6+s4], $0x80, v3, vm0, $0x2000b8;
	[tilespmem:$0x10100] =	vst v63  }
0x103: {  	v3 =	vld [tilespmem:s26+$0x70];
	_ =	sdelay $0x4  }
0x104: {  	v63 =	vshll.u32 v3, $0x1  }
0x105: {  	v3 =	vand.u32 $0x7, v3;
	v4 =	vand.u32 $0xFFFFFFF0, v63  }
0x106: {  	v3 =	vor.u32 v3, v4  }
0x107: {  	v4 =	vperm.xlane v3, v0;
	_ =	sdelay $0x1  }
0x108: {  	v3 =	vperm.xlane v3, v2;
	v4 =	vadd.s32 v1, v4;
	_ =	sdelay $0x1  }
0x109: {  	v3 =	vadd.s32 v1, v3;
	_ =	sdelay $0x1  }
0x10a: {  	p2 =	por !p2, !p2;
	p3 =	seq.s32 s22, s16;
	s31 =	sor.u32 $0x7100, s25  }
0x10b: {  	[tilespmem:s31], [sflag:$0x5] =	stream.indirect_vreg.gather [hbm4b:s6+s4], $0x80, v4, vm0, $0x2000b8;
	[tilespmem:$0x10100] =	vst v63  }
0x10c: {  	p2 =	por !p2, !p3;
	s25 =	sor.u32 $0x7900, s25  }
0x10d: {  	[tilespmem:s25], [sflag:$0x5] =	stream.indirect_vreg.gather [hbm4b:s6+s4], $0x80, v3, vm0, $0x2000b8;
	[tilespmem:$0x10100] =	vst v63  }
0x10e: {  	s22 =	sadd.s32 s5, s22;
	p2 =	por !p2, !p2;
	_ =	swait.ge [sflag:s13], $0x8000  }
0x10f: {  	s22 =	sshll.u32 @!p2 s22, $0xD;
	p0 =	por p2, p0;
	[sflag:s13] =	ssyncset.done $0x0  }
.Ltmp4:
0x110: {  	s22 =	sand.u32 @!p2 $0x1FFFE000, s22;
	[sflag:s13] =	ssyncadd.s32 $0xFFFF8000;
	(pc) =	sbr.rel @!p0 .LBB2_7-.Ltmp4, $4  }
0x111: {  	s22 =	sadd.s32 @!p2 s22, s11;
	s24 =	sadd.s32 @!p2 $0x3, s24;
	_ =	strace $0x90000052  }
0x112: {  	s26 =	simm.s32 @!p2 $0x1000;
	s25 =	simm.s32 @!p2 $0x800;
	_ =	strace @!p2 $0x80000053  }
0x113: {  	[hbm4b:s22+s25] =	stream.strided.scatter @!p2 [tilespmem:s23], [sflag:s24], $0x8000, s26, s25, $0x200038;
	[tilespmem:$0x10100] =	vst v63  }
0x114: {  	_ =	strace @!p2 $0x90000053  }
.Ltmp5:
0x115: {  	s22 =	simm.s32 $0x1;
	(pc) =	sbr.rel .LBB2_5-.Ltmp5, $4  }
0x116: {  	s23 =	simm.s32 @!p2 $0x1;
	s17 =	sadd.s32 s20, s17;
	s22 =	simm.s32 @!p1 $0x0  }
0x117: {  	s20 =	simm.s32 $0x1;
	s18 =	sadd.s32 s22, s18;
	s22 =	sadd.s32 @!p2 $0x1, s21  }
0x118: {  	p0 =	por $0x0, $0x0;
	s23 =	simm.s32 @p2 $0x0;
	s22 =	smov.u32 @p2 s21  }
0x119: {  	s19 =	sadd.s32 s19, s23;
	p2 =	por $0x1, $0x1;
	s21 =	smov.u32 s22  }
.LBB2_8:
0x11a: {  	_ =	sfence.sel $0x180000  }
0x11b: {  	[bflag:$0x0] =	sbarrier.arrive $0xFFFF  }
0x11c: {  	p0 =	sne.s32 s2, $0x0;
	_ =	strace $0x90000047  }
0x11d: {  	s0 =	sadd.s32 @!p0 $0x100000, s0;
	[bflag:$0x2] =	sbarrier.arrive $0xFFFF  }
0x11e: {  	[sflag:s0] =	ssyncadd.tile.s32 @!p0 $0x1;
	_ =	shalt  }
.Lfunc_end2:
_tile_overlayer_lowered:
.L_overlay_start_2:
0x11f: {  	(tag) =	ssettag $0x2  }
0x120: {  	s0 =	rddreg [dreg:$0x0];
	s2 =	stileid.u32  }
0x121: {  	s1 =	rddreg [dreg:$0x1];
	p0 =	sne.s32 s2, $0x0  }
0x122: {  	s3 =	rddreg [dreg:$0x2];
	[bflag:$0x3] =	sbarrier.arrive $0xFFFF;
	s2 =	simm.s32 @!p0 $0x1C01  }
0x123: {  	[timem:s3], [sflag:s2] =	dma.local @!p0 [hbm:s0], s1  }
0x124: {  	s0 =	simm.s32 @!p0 $0x1  }
0x125: {  	_ =	swait.ge @!p0 [sflag:s0], s1  }
0x126: {  	s1 =	ssub.s32 @!p0 $0x0, s1;
	[sflag:s0] =	ssyncset.done @!p0 $0x0  }
0x127: {  	[sflag:s0] =	ssyncadd.s32 @!p0 s1  }
0x128: {  	[bflag:$0x3] =	sbarrier.arrive $0xFFFF  }
0x129: {  	_ =	shalt  }

</sc_bundles>
